<compile_context>
chip_gen: v7x
topology: tpu7x:2x2x1
jax: 0.10.2.dev20260603
libtpu: 0.0.44.dev20260713+nightly
codegen_flags: <defaults>
</compile_context>

<pallas_src>
import numpy as np
import jax
import jax.numpy as jnp
from jax import lax
from jax.experimental import pallas as pl
from jax.experimental.pallas import tpu as pltpu
from jax.experimental.pallas import tpu_sc as plsc

_N_ROWS = 16384
_N_COLS = 330
_R_SC = 2048
_NC = 2
_NS = 16
_NW = _NC * _NS
_SC_ROWS_PER_W = _R_SC // _NW
_L = 16
_OFFS = tuple(range(0, 320, 16))
_TAIL = 314
_BIG = np.float32(1e30)
_TC_BLOCK_ROWS = 2048


def _fix_cols() -> np.ndarray:
    fix = np.zeros((_N_COLS,), dtype=bool)
    for h in range(12):
        base = 26 * h
        for k in range(12):
            fix[base + 2 * k + 1] = True
    for k in range(4):
        fix[312 + 2 * k + 1] = True
        fix[320 + 2 * k + 1] = True
    return fix


_ENC_NP = np.where(_fix_cols(), np.float32(0.0), _BIG).astype(np.float32)


def _sc_body(x_hbm, enc_hbm, out_hbm, xbuf, encbuf, sem):
    wid = lax.axis_index("s") * _NC + lax.axis_index("c")
    row0 = wid * _SC_ROWS_PER_W
    pltpu.sync_copy(enc_hbm, encbuf)
    perm = jnp.maximum(lax.iota(jnp.int32, _L) - 1, 0)[:, None]
    dnums = lax.GatherDimensionNumbers(
        offset_dims=(), collapsed_slice_dims=(0,), start_index_map=(0,))
    encs = [encbuf[pl.ds(off, _L)] for off in _OFFS]
    enc_tail = encbuf[pl.ds(_TAIL, _L)]

    def win(x, enc):
        prev = lax.gather(
            x, perm, dnums, (1,),
            mode=lax.GatherScatterMode.PROMISE_IN_BOUNDS)
        return jnp.where((prev + enc) == 0.0, 0.0, x)

    pltpu.sync_copy(x_hbm.at[pl.ds(row0, _SC_ROWS_PER_W)], xbuf)

    def row_body(r, rc):
        for i, off in enumerate(_OFFS[:-1]):
            x = xbuf[r, pl.ds(off, _L)]
            xbuf[r, pl.ds(off, _L)] = win(x, encs[i])
        x19 = xbuf[r, pl.ds(_OFFS[-1], _L)]
        y19 = win(x19, encs[-1])
        xt = xbuf[r, pl.ds(_TAIL, _L)]
        xbuf[r, pl.ds(_TAIL, _L)] = win(xt, enc_tail)
        xbuf[r, pl.ds(_OFFS[-1], _L)] = y19
        return rc

    lax.fori_loop(0, _SC_ROWS_PER_W, row_body, 0)
    pltpu.sync_copy(xbuf, out_hbm.at[pl.ds(row0, _SC_ROWS_PER_W)])


def _sc_part(inputs):
    enc = jnp.asarray(_ENC_NP)
    mesh = plsc.VectorSubcoreMesh(core_axis_name="c", subcore_axis_name="s")
    f = pl.kernel(
        _sc_body,
        mesh=mesh,
        out_type=jax.ShapeDtypeStruct((_R_SC, _N_COLS), jnp.float32),
        scratch_types=[
            pltpu.VMEM((_SC_ROWS_PER_W, _N_COLS), jnp.float32),
            pltpu.VMEM((_N_COLS,), jnp.float32),
            pltpu.SemaphoreType.DMA,
        ],
    )
    return f(inputs, enc)


def _tc_block(x_ref, out_ref):
    x = x_ref[...]
    prev = jnp.roll(x, 1, axis=1)
    col = lax.broadcasted_iota(jnp.int32, x.shape, 1)
    is_odd = (col & 1) == 1
    house = (col < 312) & ((col % 26) < 24)
    mid = (col >= 312) & (col < 328)
    fix = is_odd & (house | mid)
    out_ref[...] = jnp.where(fix & (prev == 0.0), 0.0, x)


def _tc_part(inputs):
    base = _R_SC // _TC_BLOCK_ROWS
    grid = ((_N_ROWS - _R_SC) // _TC_BLOCK_ROWS,)
    return pl.pallas_call(
        _tc_block,
        grid=grid,
        in_specs=[
            pl.BlockSpec((_TC_BLOCK_ROWS, _N_COLS), lambda i: (i + base, 0)),
        ],
        out_specs=pl.BlockSpec((_TC_BLOCK_ROWS, _N_COLS),
                               lambda i: (i + base, 0)),
        out_shape=jax.ShapeDtypeStruct((_N_ROWS, _N_COLS), jnp.float32),
    )(inputs)


def kernel(inputs):
    sc_out = _sc_part(inputs)
    tc_out = _tc_part(inputs)
    return lax.dynamic_update_slice(tc_out, sc_out, (0, 0))

# --- scband reference (transcript-rebuilt; emitter-appended) ---
"""Pipeline reference for scband-backprop-layer-55413668053610 (READ-ONLY COPY).

The authoritative reference and input builder live on the scoring server;
editing this copy changes nothing except your own understanding.
"""

import jax, jax.numpy as jnp
import numpy as np


def _correct_pairs(t):
    # Equivalent to: find positions where even-indexed columns are 0,
    # and tensor_scatter_nd_update the following odd-indexed column to 0.
    even = t[:, 0::2]
    odd = t[:, 1::2]
    odd_new = jnp.where(even == 0.0, jnp.zeros_like(odd), odd)
    # interleave even/odd back into original column order
    out = jnp.stack([even, odd_new], axis=-1).reshape(t.shape[0], -1)
    return out


def setup_inputs(seed: int = 0) -> dict:
    key = jax.random.key(seed)
    # randint in [0, 3) then cast to float32 so ~1/3 of entries are exact zeros,
    # exercising the conditional scatter path heavily
    x = jax.random.randint(key, (16384, 330), 0, 3).astype(jnp.float32)
    return {"inputs": x}


def reference(inputs):
    # data layout: 12 houses * 26 cols | staircase 8 | corridor 8 | tail 2
    houses = inputs[:, : 12 * (12 * 2 + 2)]          # [:, :312]
    stair = inputs[:, 312:312 + 8]
    corridor = inputs[:, 320:320 + 8]
    tail = inputs[:, 328:330]

    house_blocks = jnp.split(houses, 12, axis=1)
    corrected = []
    for hb in house_blocks:
        tensor_var = hb[:, :24]
        tail_data = hb[:, 24:26]
        corrected.append(jnp.concatenate([_correct_pairs(tensor_var), tail_data], axis=1))
    houses_c = jnp.concatenate(corrected, axis=1)

    stair_c = _correct_pairs(stair)
    corridor_c = _correct_pairs(corridor)

    return jnp.concatenate([houses_c, stair_c, corridor_c, tail], axis=-1)

if __name__ == "__main__":
    import jax
    _d = setup_inputs()
    print(jax.jit(kernel)(*tuple(_d.values())))

</pallas_src>

<mosaic_0001>
#map = affine_map<(d0, d1) -> (0, 0)>
#map1 = affine_map<(d0, d1) -> (0)>
module attributes {stable_mosaic.version = 14 : i64} {
  func.func @_sc_body(%arg0: i32, %arg1: i32, %arg2: memref<16384x330xf32, #tpu.memory_space<hbm>>, %arg3: memref<330xf32, #tpu.memory_space<hbm>>, %arg4: memref<2048x330xf32, #tpu.memory_space<hbm>>, %arg5: memref<64x330xf32, #tpu.memory_space<vmem>>, %arg6: memref<330xf32, #tpu.memory_space<vmem>>, %arg7: memref<!tpu.dma_semaphore, #tpu.memory_space<semaphore_mem>>) attributes {dimension_semantics = [#tpu.dimension_semantics<core_parallel>, #tpu.dimension_semantics<subcore_parallel>], iteration_bounds = array<i64: 2, 16>, scalar_prefetch = 0 : i64, scratch_operands = 3 : i64, tpu.core_type = #tpu.core_type<sc_vector_subcore>, window_params = [{transform_indices = #map}, {transform_indices = #map1}, {transform_indices = #map}]} {
    %mul3A = arith.constant 2 : i32
    %mul3A_0 = arith.muli %arg1, %mul3A : i32
    %add3A = arith.addi %mul3A_0, %arg0 : i32
    %mul3A_1 = arith.constant 64 : i32
    %mul3A_2 = arith.muli %add3A, %mul3A_1 : i32
    "tpu.region"() ({
      %run_scoped3A = tpu.sem_alloc : memref<!tpu.dma_semaphore, #tpu.memory_space<semaphore_mem>>
      tpu.enqueue_dma source(%arg3 : memref<330xf32, #tpu.memory_space<hbm>>) target(%arg6 : memref<330xf32, #tpu.memory_space<vmem>>) target_semaphore(%run_scoped3A : memref<!tpu.dma_semaphore, #tpu.memory_space<semaphore_mem>>)
      tpu.wait_dma2 semaphore(%run_scoped3A : memref<!tpu.dma_semaphore, #tpu.memory_space<semaphore_mem>>) src(%arg3 : memref<330xf32, #tpu.memory_space<hbm>>) dst(%arg6 : memref<330xf32, #tpu.memory_space<vmem>>)
      tpu.yield
    }) : () -> ()
    %iota3A = tpu.iota {dimensions = array<i32: 0>} : vector<16xi32>
    %sub3A = arith.constant 1 : i32
    %sub3A_3 = vector.broadcast %sub3A : i32 to vector<16xi32>
    %sub3A_4 = arith.subi %iota3A, %sub3A_3 : vector<16xi32>
    %max3A = arith.constant 0 : i32
    %max3A_5 = vector.broadcast %max3A : i32 to vector<16xi32>
    %max3A_6 = arith.maxsi %sub3A_4, %max3A_5 : vector<16xi32>
    %broadcast_in_dim3A = vector.shape_cast %max3A_6 : vector<16xi32> to vector<16x1xi32>
    %get3A = arith.constant 0 : index
    %get3A_7 = tpu.vector_load %arg6[%get3A] {strides = array<i32>} : memref<330xf32, #tpu.memory_space<vmem>>, vector<16xf32>,
    %get3A_8 = vector.shape_cast %get3A_7 : vector<16xf32> to vector<16xf32>
    %get3A_9 = arith.constant 16 : index
    %get3A_10 = tpu.vector_load %arg6[%get3A_9] {strides = array<i32>} : memref<330xf32, #tpu.memory_space<vmem>>, vector<16xf32>,
    %get3A_11 = vector.shape_cast %get3A_10 : vector<16xf32> to vector<16xf32>
    %get3A_12 = arith.constant 32 : index
    %get3A_13 = tpu.vector_load %arg6[%get3A_12] {strides = array<i32>} : memref<330xf32, #tpu.memory_space<vmem>>, vector<16xf32>,
    %get3A_14 = vector.shape_cast %get3A_13 : vector<16xf32> to vector<16xf32>
    %get3A_15 = arith.constant 48 : index
    %get3A_16 = tpu.vector_load %arg6[%get3A_15] {strides = array<i32>} : memref<330xf32, #tpu.memory_space<vmem>>, vector<16xf32>,
    %get3A_17 = vector.shape_cast %get3A_16 : vector<16xf32> to vector<16xf32>
    %get3A_18 = arith.constant 64 : index
    %get3A_19 = tpu.vector_load %arg6[%get3A_18] {strides = array<i32>} : memref<330xf32, #tpu.memory_space<vmem>>, vector<16xf32>,
    %get3A_20 = vector.shape_cast %get3A_19 : vector<16xf32> to vector<16xf32>
    %get3A_21 = arith.constant 80 : index
    %get3A_22 = tpu.vector_load %arg6[%get3A_21] {strides = array<i32>} : memref<330xf32, #tpu.memory_space<vmem>>, vector<16xf32>,
    %get3A_23 = vector.shape_cast %get3A_22 : vector<16xf32> to vector<16xf32>
    %get3A_24 = arith.constant 96 : index
    %get3A_25 = tpu.vector_load %arg6[%get3A_24] {strides = array<i32>} : memref<330xf32, #tpu.memory_space<vmem>>, vector<16xf32>,
    %get3A_26 = vector.shape_cast %get3A_25 : vector<16xf32> to vector<16xf32>
    %get3A_27 = arith.constant 112 : index
    %get3A_28 = tpu.vector_load %arg6[%get3A_27] {strides = array<i32>} : memref<330xf32, #tpu.memory_space<vmem>>, vector<16xf32>,
    %get3A_29 = vector.shape_cast %get3A_28 : vector<16xf32> to vector<16xf32>
    %get3A_30 = arith.constant 128 : index
    %get3A_31 = tpu.vector_load %arg6[%get3A_30] {strides = array<i32>} : memref<330xf32, #tpu.memory_space<vmem>>, vector<16xf32>,
    %get3A_32 = vector.shape_cast %get3A_31 : vector<16xf32> to vector<16xf32>
    %get3A_33 = arith.constant 144 : index
    %get3A_34 = tpu.vector_load %arg6[%get3A_33] {strides = array<i32>} : memref<330xf32, #tpu.memory_space<vmem>>, vector<16xf32>,
    %get3A_35 = vector.shape_cast %get3A_34 : vector<16xf32> to vector<16xf32>
    %get3A_36 = arith.constant 160 : index
    %get3A_37 = tpu.vector_load %arg6[%get3A_36] {strides = array<i32>} : memref<330xf32, #tpu.memory_space<vmem>>, vector<16xf32>,
    %get3A_38 = vector.shape_cast %get3A_37 : vector<16xf32> to vector<16xf32>
    %get3A_39 = arith.constant 176 : index
    %get3A_40 = tpu.vector_load %arg6[%get3A_39] {strides = array<i32>} : memref<330xf32, #tpu.memory_space<vmem>>, vector<16xf32>,
    %get3A_41 = vector.shape_cast %get3A_40 : vector<16xf32> to vector<16xf32>
    %get3A_42 = arith.constant 192 : index
    %get3A_43 = tpu.vector_load %arg6[%get3A_42] {strides = array<i32>} : memref<330xf32, #tpu.memory_space<vmem>>, vector<16xf32>,
    %get3A_44 = vector.shape_cast %get3A_43 : vector<16xf32> to vector<16xf32>
    %get3A_45 = arith.constant 208 : index
    %get3A_46 = tpu.vector_load %arg6[%get3A_45] {strides = array<i32>} : memref<330xf32, #tpu.memory_space<vmem>>, vector<16xf32>,
    %get3A_47 = vector.shape_cast %get3A_46 : vector<16xf32> to vector<16xf32>
    %get3A_48 = arith.constant 224 : index
    %get3A_49 = tpu.vector_load %arg6[%get3A_48] {strides = array<i32>} : memref<330xf32, #tpu.memory_space<vmem>>, vector<16xf32>,
    %get3A_50 = vector.shape_cast %get3A_49 : vector<16xf32> to vector<16xf32>
    %get3A_51 = arith.constant 240 : index
    %get3A_52 = tpu.vector_load %arg6[%get3A_51] {strides = array<i32>} : memref<330xf32, #tpu.memory_space<vmem>>, vector<16xf32>,
    %get3A_53 = vector.shape_cast %get3A_52 : vector<16xf32> to vector<16xf32>
    %get3A_54 = arith.constant 256 : index
    %get3A_55 = tpu.vector_load %arg6[%get3A_54] {strides = array<i32>} : memref<330xf32, #tpu.memory_space<vmem>>, vector<16xf32>,
    %get3A_56 = vector.shape_cast %get3A_55 : vector<16xf32> to vector<16xf32>
    %get3A_57 = arith.constant 272 : index
    %get3A_58 = tpu.vector_load %arg6[%get3A_57] {strides = array<i32>} : memref<330xf32, #tpu.memory_space<vmem>>, vector<16xf32>,
    %get3A_59 = vector.shape_cast %get3A_58 : vector<16xf32> to vector<16xf32>
    %get3A_60 = arith.constant 288 : index
    %get3A_61 = tpu.vector_load %arg6[%get3A_60] {strides = array<i32>} : memref<330xf32, #tpu.memory_space<vmem>>, vector<16xf32>,
    %get3A_62 = vector.shape_cast %get3A_61 : vector<16xf32> to vector<16xf32>
    %get3A_63 = arith.constant 304 : index
    %get3A_64 = tpu.vector_load %arg6[%get3A_63] {strides = array<i32>} : memref<330xf32, #tpu.memory_space<vmem>>, vector<16xf32>,
    %get3A_65 = vector.shape_cast %get3A_64 : vector<16xf32> to vector<16xf32>
    %get3A_66 = arith.constant 314 : index
    %get3A_67 = tpu.vector_load %arg6[%get3A_66] {strides = array<i32>} : memref<330xf32, #tpu.memory_space<vmem>>, vector<16xf32>,
    %get3A_68 = vector.shape_cast %get3A_67 : vector<16xf32> to vector<16xf32>
    "tpu.region"() ({
      %run_scoped3A = tpu.sem_alloc : memref<!tpu.dma_semaphore, #tpu.memory_space<semaphore_mem>>
      %dma_start3A = arith.constant 0 : i32
      %dma_start3A_74 = tpu.memref_slice %arg2[%mul3A_2, %dma_start3A] : memref<16384x330xf32, #tpu.memory_space<hbm>> -> memref<64x330xf32, #tpu.memory_space<hbm>>
      %dma_start3A_75 = arith.constant 0 : i32
      %dma_start3A_76 = tpu.memref_slice %arg2[%mul3A_2, %dma_start3A_75] : memref<16384x330xf32, #tpu.memory_space<hbm>> -> memref<64x330xf32, #tpu.memory_space<hbm>>
      tpu.enqueue_dma source(%dma_start3A_76 : memref<64x330xf32, #tpu.memory_space<hbm>>) target(%arg5 : memref<64x330xf32, #tpu.memory_space<vmem>>) target_semaphore(%run_scoped3A : memref<!tpu.dma_semaphore, #tpu.memory_space<semaphore_mem>>)
      %dma_wait3A = arith.constant 0 : i32
      %dma_wait3A_77 = tpu.memref_slice %arg2[%mul3A_2, %dma_wait3A] : memref<16384x330xf32, #tpu.memory_space<hbm>> -> memref<64x330xf32, #tpu.memory_space<hbm>>
      %dma_wait3A_78 = arith.constant 0 : i32
      %dma_wait3A_79 = tpu.memref_slice %arg2[%mul3A_2, %dma_wait3A_78] : memref<16384x330xf32, #tpu.memory_space<hbm>> -> memref<64x330xf32, #tpu.memory_space<hbm>>
      tpu.wait_dma2 semaphore(%run_scoped3A : memref<!tpu.dma_semaphore, #tpu.memory_space<semaphore_mem>>) src(%dma_wait3A_79 : memref<64x330xf32, #tpu.memory_space<hbm>>) dst(%arg5 : memref<64x330xf32, #tpu.memory_space<vmem>>)
      tpu.yield
    }) : () -> ()
    %scan3A = arith.constant 0 : i32
    %scan3A_69 = arith.constant 0 : i32
    %scan3A_70 = arith.constant 64 : i32
    %scan3A_71 = arith.addi %scan3A_69, %scan3A_70 : i32
    %scan3A_72 = arith.constant 1 : i32
    scf.for %scan3A_74 = %scan3A_69 to %scan3A_71 step %scan3A_72  : i32 {
      %get3A_75 = arith.index_cast %scan3A_74 : i32 to index
      %get3A_76 = arith.constant 0 : index
      %get3A_77 = tpu.vector_load %arg5[%get3A_75, %get3A_76] {strides = array<i32>} : memref<64x330xf32, #tpu.memory_space<vmem>>, vector<1x16xf32>,
      %get3A_78 = vector.shape_cast %get3A_77 : vector<1x16xf32> to vector<16xf32>
      %gather3A = vector.shape_cast %broadcast_in_dim3A : vector<16x1xi32> to vector<16xi32>
      %gather3A_79 = tpu.dynamic_gather %get3A_78[%gather3A] in [0] : vector<16xf32>, vector<16xi32> -> vector<16xf32>
      %add3A_80 = arith.addf %gather3A_79, %get3A_8 : vector<16xf32>
      %eq3A = arith.constant 0.000000e+00 : f32
      %eq3A_81 = vector.broadcast %eq3A : f32 to vector<16xf32>
      %eq3A_82 = arith.cmpf oeq, %add3A_80, %eq3A_81 : vector<16xf32>
      %jit3A = arith.constant 0.000000e+00 : f32
      %broadcast_in_dim3A_83 = vector.broadcast %jit3A : f32 to vector<16xf32>
      %select_n3A = arith.select %eq3A_82, %broadcast_in_dim3A_83, %get3A_78 : vector<16xi1>, vector<16xf32>
      %swap3A = arith.index_cast %scan3A_74 : i32 to index
      %swap3A_84 = arith.constant 0 : index
      %swap3A_85 = tpu.vector_load %arg5[%swap3A, %swap3A_84] {strides = array<i32>} : memref<64x330xf32, #tpu.memory_space<vmem>>, vector<1x16xf32>,
      %swap3A_86 = vector.shape_cast %swap3A_85 : vector<1x16xf32> to vector<16xf32>
      %swap3A_87 = vector.shape_cast %select_n3A : vector<16xf32> to vector<1x16xf32>
      tpu.vector_store %arg5[%swap3A, %swap3A_84], %swap3A_87 {strides = array<i32>} : memref<64x330xf32, #tpu.memory_space<vmem>>, vector<1x16xf32>,
      %get3A_88 = arith.index_cast %scan3A_74 : i32 to index
      %get3A_89 = arith.constant 16 : index
      %get3A_90 = tpu.vector_load %arg5[%get3A_88, %get3A_89] {strides = array<i32>} : memref<64x330xf32, #tpu.memory_space<vmem>>, vector<1x16xf32>,
      %get3A_91 = vector.shape_cast %get3A_90 : vector<1x16xf32> to vector<16xf32>
      %gather3A_92 = vector.shape_cast %broadcast_in_dim3A : vector<16x1xi32> to vector<16xi32>
      %gather3A_93 = tpu.dynamic_gather %get3A_91[%gather3A_92] in [0] : vector<16xf32>, vector<16xi32> -> vector<16xf32>
      %add3A_94 = arith.addf %gather3A_93, %get3A_11 : vector<16xf32>
      %eq3A_95 = arith.constant 0.000000e+00 : f32
      %eq3A_96 = vector.broadcast %eq3A_95 : f32 to vector<16xf32>
      %eq3A_97 = arith.cmpf oeq, %add3A_94, %eq3A_96 : vector<16xf32>
      %jit3A_98 = arith.constant 0.000000e+00 : f32
      %broadcast_in_dim3A_99 = vector.broadcast %jit3A_98 : f32 to vector<16xf32>
      %select_n3A_100 = arith.select %eq3A_97, %broadcast_in_dim3A_99, %get3A_91 : vector<16xi1>, vector<16xf32>
      %swap3A_101 = arith.index_cast %scan3A_74 : i32 to index
      %swap3A_102 = arith.constant 16 : index
      %swap3A_103 = tpu.vector_load %arg5[%swap3A_101, %swap3A_102] {strides = array<i32>} : memref<64x330xf32, #tpu.memory_space<vmem>>, vector<1x16xf32>,
      %swap3A_104 = vector.shape_cast %swap3A_103 : vector<1x16xf32> to vector<16xf32>
      %swap3A_105 = vector.shape_cast %select_n3A_100 : vector<16xf32> to vector<1x16xf32>
      tpu.vector_store %arg5[%swap3A_101, %swap3A_102], %swap3A_105 {strides = array<i32>} : memref<64x330xf32, #tpu.memory_space<vmem>>, vector<1x16xf32>,
      %get3A_106 = arith.index_cast %scan3A_74 : i32 to index
      %get3A_107 = arith.constant 32 : index
      %get3A_108 = tpu.vector_load %arg5[%get3A_106, %get3A_107] {strides = array<i32>} : memref<64x330xf32, #tpu.memory_space<vmem>>, vector<1x16xf32>,
      %get3A_109 = vector.shape_cast %get3A_108 : vector<1x16xf32> to vector<16xf32>
      %gather3A_110 = vector.shape_cast %broadcast_in_dim3A : vector<16x1xi32> to vector<16xi32>
      %gather3A_111 = tpu.dynamic_gather %get3A_109[%gather3A_110] in [0] : vector<16xf32>, vector<16xi32> -> vector<16xf32>
      %add3A_112 = arith.addf %gather3A_111, %get3A_14 : vector<16xf32>
      %eq3A_113 = arith.constant 0.000000e+00 : f32
      %eq3A_114 = vector.broadcast %eq3A_113 : f32 to vector<16xf32>
      %eq3A_115 = arith.cmpf oeq, %add3A_112, %eq3A_114 : vector<16xf32>
      %jit3A_116 = arith.constant 0.000000e+00 : f32
      %broadcast_in_dim3A_117 = vector.broadcast %jit3A_116 : f32 to vector<16xf32>
      %select_n3A_118 = arith.select %eq3A_115, %broadcast_in_dim3A_117, %get3A_109 : vector<16xi1>, vector<16xf32>
      %swap3A_119 = arith.index_cast %scan3A_74 : i32 to index
      %swap3A_120 = arith.constant 32 : index
      %swap3A_121 = tpu.vector_load %arg5[%swap3A_119, %swap3A_120] {strides = array<i32>} : memref<64x330xf32, #tpu.memory_space<vmem>>, vector<1x16xf32>,
      %swap3A_122 = vector.shape_cast %swap3A_121 : vector<1x16xf32> to vector<16xf32>
      %swap3A_123 = vector.shape_cast %select_n3A_118 : vector<16xf32> to vector<1x16xf32>
      tpu.vector_store %arg5[%swap3A_119, %swap3A_120], %swap3A_123 {strides = array<i32>} : memref<64x330xf32, #tpu.memory_space<vmem>>, vector<1x16xf32>,
      %get3A_124 = arith.index_cast %scan3A_74 : i32 to index
      %get3A_125 = arith.constant 48 : index
      %get3A_126 = tpu.vector_load %arg5[%get3A_124, %get3A_125] {strides = array<i32>} : memref<64x330xf32, #tpu.memory_space<vmem>>, vector<1x16xf32>,
      %get3A_127 = vector.shape_cast %get3A_126 : vector<1x16xf32> to vector<16xf32>
      %gather3A_128 = vector.shape_cast %broadcast_in_dim3A : vector<16x1xi32> to vector<16xi32>
      %gather3A_129 = tpu.dynamic_gather %get3A_127[%gather3A_128] in [0] : vector<16xf32>, vector<16xi32> -> vector<16xf32>
      %add3A_130 = arith.addf %gather3A_129, %get3A_17 : vector<16xf32>
      %eq3A_131 = arith.constant 0.000000e+00 : f32
      %eq3A_132 = vector.broadcast %eq3A_131 : f32 to vector<16xf32>
      %eq3A_133 = arith.cmpf oeq, %add3A_130, %eq3A_132 : vector<16xf32>
      %jit3A_134 = arith.constant 0.000000e+00 : f32
      %broadcast_in_dim3A_135 = vector.broadcast %jit3A_134 : f32 to vector<16xf32>
      %select_n3A_136 = arith.select %eq3A_133, %broadcast_in_dim3A_135, %get3A_127 : vector<16xi1>, vector<16xf32>
      %swap3A_137 = arith.index_cast %scan3A_74 : i32 to index
      %swap3A_138 = arith.constant 48 : index
      %swap3A_139 = tpu.vector_load %arg5[%swap3A_137, %swap3A_138] {strides = array<i32>} : memref<64x330xf32, #tpu.memory_space<vmem>>, vector<1x16xf32>,
      %swap3A_140 = vector.shape_cast %swap3A_139 : vector<1x16xf32> to vector<16xf32>
      %swap3A_141 = vector.shape_cast %select_n3A_136 : vector<16xf32> to vector<1x16xf32>
      tpu.vector_store %arg5[%swap3A_137, %swap3A_138], %swap3A_141 {strides = array<i32>} : memref<64x330xf32, #tpu.memory_space<vmem>>, vector<1x16xf32>,
      %get3A_142 = arith.index_cast %scan3A_74 : i32 to index
      %get3A_143 = arith.constant 64 : index
      %get3A_144 = tpu.vector_load %arg5[%get3A_142, %get3A_143] {strides = array<i32>} : memref<64x330xf32, #tpu.memory_space<vmem>>, vector<1x16xf32>,
      %get3A_145 = vector.shape_cast %get3A_144 : vector<1x16xf32> to vector<16xf32>
      %gather3A_146 = vector.shape_cast %broadcast_in_dim3A : vector<16x1xi32> to vector<16xi32>
      %gather3A_147 = tpu.dynamic_gather %get3A_145[%gather3A_146] in [0] : vector<16xf32>, vector<16xi32> -> vector<16xf32>
      %add3A_148 = arith.addf %gather3A_147, %get3A_20 : vector<16xf32>
      %eq3A_149 = arith.constant 0.000000e+00 : f32
      %eq3A_150 = vector.broadcast %eq3A_149 : f32 to vector<16xf32>
      %eq3A_151 = arith.cmpf oeq, %add3A_148, %eq3A_150 : vector<16xf32>
      %jit3A_152 = arith.constant 0.000000e+00 : f32
      %broadcast_in_dim3A_153 = vector.broadcast %jit3A_152 : f32 to vector<16xf32>
      %select_n3A_154 = arith.select %eq3A_151, %broadcast_in_dim3A_153, %get3A_145 : vector<16xi1>, vector<16xf32>
      %swap3A_155 = arith.index_cast %scan3A_74 : i32 to index
      %swap3A_156 = arith.constant 64 : index
      %swap3A_157 = tpu.vector_load %arg5[%swap3A_155, %swap3A_156] {strides = array<i32>} : memref<64x330xf32, #tpu.memory_space<vmem>>, vector<1x16xf32>,
      %swap3A_158 = vector.shape_cast %swap3A_157 : vector<1x16xf32> to vector<16xf32>
      %swap3A_159 = vector.shape_cast %select_n3A_154 : vector<16xf32> to vector<1x16xf32>
      tpu.vector_store %arg5[%swap3A_155, %swap3A_156], %swap3A_159 {strides = array<i32>} : memref<64x330xf32, #tpu.memory_space<vmem>>, vector<1x16xf32>,
      %get3A_160 = arith.index_cast %scan3A_74 : i32 to index
      %get3A_161 = arith.constant 80 : index
      %get3A_162 = tpu.vector_load %arg5[%get3A_160, %get3A_161] {strides = array<i32>} : memref<64x330xf32, #tpu.memory_space<vmem>>, vector<1x16xf32>,
      %get3A_163 = vector.shape_cast %get3A_162 : vector<1x16xf32> to vector<16xf32>
      %gather3A_164 = vector.shape_cast %broadcast_in_dim3A : vector<16x1xi32> to vector<16xi32>
      %gather3A_165 = tpu.dynamic_gather %get3A_163[%gather3A_164] in [0] : vector<16xf32>, vector<16xi32> -> vector<16xf32>
      %add3A_166 = arith.addf %gather3A_165, %get3A_23 : vector<16xf32>
      %eq3A_167 = arith.constant 0.000000e+00 : f32
      %eq3A_168 = vector.broadcast %eq3A_167 : f32 to vector<16xf32>
      %eq3A_169 = arith.cmpf oeq, %add3A_166, %eq3A_168 : vector<16xf32>
      %jit3A_170 = arith.constant 0.000000e+00 : f32
      %broadcast_in_dim3A_171 = vector.broadcast %jit3A_170 : f32 to vector<16xf32>
      %select_n3A_172 = arith.select %eq3A_169, %broadcast_in_dim3A_171, %get3A_163 : vector<16xi1>, vector<16xf32>
      %swap3A_173 = arith.index_cast %scan3A_74 : i32 to index
      %swap3A_174 = arith.constant 80 : index
      %swap3A_175 = tpu.vector_load %arg5[%swap3A_173, %swap3A_174] {strides = array<i32>} : memref<64x330xf32, #tpu.memory_space<vmem>>, vector<1x16xf32>,
      %swap3A_176 = vector.shape_cast %swap3A_175 : vector<1x16xf32> to vector<16xf32>
      %swap3A_177 = vector.shape_cast %select_n3A_172 : vector<16xf32> to vector<1x16xf32>
      tpu.vector_store %arg5[%swap3A_173, %swap3A_174], %swap3A_177 {strides = array<i32>} : memref<64x330xf32, #tpu.memory_space<vmem>>, vector<1x16xf32>,
      %get3A_178 = arith.index_cast %scan3A_74 : i32 to index
      %get3A_179 = arith.constant 96 : index
      %get3A_180 = tpu.vector_load %arg5[%get3A_178, %get3A_179] {strides = array<i32>} : memref<64x330xf32, #tpu.memory_space<vmem>>, vector<1x16xf32>,
      %get3A_181 = vector.shape_cast %get3A_180 : vector<1x16xf32> to vector<16xf32>
      %gather3A_182 = vector.shape_cast %broadcast_in_dim3A : vector<16x1xi32> to vector<16xi32>
      %gather3A_183 = tpu.dynamic_gather %get3A_181[%gather3A_182] in [0] : vector<16xf32>, vector<16xi32> -> vector<16xf32>
      %add3A_184 = arith.addf %gather3A_183, %get3A_26 : vector<16xf32>
      %eq3A_185 = arith.constant 0.000000e+00 : f32
      %eq3A_186 = vector.broadcast %eq3A_185 : f32 to vector<16xf32>
      %eq3A_187 = arith.cmpf oeq, %add3A_184, %eq3A_186 : vector<16xf32>
      %jit3A_188 = arith.constant 0.000000e+00 : f32
      %broadcast_in_dim3A_189 = vector.broadcast %jit3A_188 : f32 to vector<16xf32>
      %select_n3A_190 = arith.select %eq3A_187, %broadcast_in_dim3A_189, %get3A_181 : vector<16xi1>, vector<16xf32>
      %swap3A_191 = arith.index_cast %scan3A_74 : i32 to index
      %swap3A_192 = arith.constant 96 : index
      %swap3A_193 = tpu.vector_load %arg5[%swap3A_191, %swap3A_192] {strides = array<i32>} : memref<64x330xf32, #tpu.memory_space<vmem>>, vector<1x16xf32>,
      %swap3A_194 = vector.shape_cast %swap3A_193 : vector<1x16xf32> to vector<16xf32>
      %swap3A_195 = vector.shape_cast %select_n3A_190 : vector<16xf32> to vector<1x16xf32>
      tpu.vector_store %arg5[%swap3A_191, %swap3A_192], %swap3A_195 {strides = array<i32>} : memref<64x330xf32, #tpu.memory_space<vmem>>, vector<1x16xf32>,
      %get3A_196 = arith.index_cast %scan3A_74 : i32 to index
      %get3A_197 = arith.constant 112 : index
      %get3A_198 = tpu.vector_load %arg5[%get3A_196, %get3A_197] {strides = array<i32>} : memref<64x330xf32, #tpu.memory_space<vmem>>, vector<1x16xf32>,
      %get3A_199 = vector.shape_cast %get3A_198 : vector<1x16xf32> to vector<16xf32>
      %gather3A_200 = vector.shape_cast %broadcast_in_dim3A : vector<16x1xi32> to vector<16xi32>
      %gather3A_201 = tpu.dynamic_gather %get3A_199[%gather3A_200] in [0] : vector<16xf32>, vector<16xi32> -> vector<16xf32>
      %add3A_202 = arith.addf %gather3A_201, %get3A_29 : vector<16xf32>
      %eq3A_203 = arith.constant 0.000000e+00 : f32
      %eq3A_204 = vector.broadcast %eq3A_203 : f32 to vector<16xf32>
      %eq3A_205 = arith.cmpf oeq, %add3A_202, %eq3A_204 : vector<16xf32>
      %jit3A_206 = arith.constant 0.000000e+00 : f32
      %broadcast_in_dim3A_207 = vector.broadcast %jit3A_206 : f32 to vector<16xf32>
      %select_n3A_208 = arith.select %eq3A_205, %broadcast_in_dim3A_207, %get3A_199 : vector<16xi1>, vector<16xf32>
      %swap3A_209 = arith.index_cast %scan3A_74 : i32 to index
      %swap3A_210 = arith.constant 112 : index
      %swap3A_211 = tpu.vector_load %arg5[%swap3A_209, %swap3A_210] {strides = array<i32>} : memref<64x330xf32, #tpu.memory_space<vmem>>, vector<1x16xf32>,
      %swap3A_212 = vector.shape_cast %swap3A_211 : vector<1x16xf32> to vector<16xf32>
      %swap3A_213 = vector.shape_cast %select_n3A_208 : vector<16xf32> to vector<1x16xf32>
      tpu.vector_store %arg5[%swap3A_209, %swap3A_210], %swap3A_213 {strides = array<i32>} : memref<64x330xf32, #tpu.memory_space<vmem>>, vector<1x16xf32>,
      %get3A_214 = arith.index_cast %scan3A_74 : i32 to index
      %get3A_215 = arith.constant 128 : index
      %get3A_216 = tpu.vector_load %arg5[%get3A_214, %get3A_215] {strides = array<i32>} : memref<64x330xf32, #tpu.memory_space<vmem>>, vector<1x16xf32>,
      %get3A_217 = vector.shape_cast %get3A_216 : vector<1x16xf32> to vector<16xf32>
      %gather3A_218 = vector.shape_cast %broadcast_in_dim3A : vector<16x1xi32> to vector<16xi32>
      %gather3A_219 = tpu.dynamic_gather %get3A_217[%gather3A_218] in [0] : vector<16xf32>, vector<16xi32> -> vector<16xf32>
      %add3A_220 = arith.addf %gather3A_219, %get3A_32 : vector<16xf32>
      %eq3A_221 = arith.constant 0.000000e+00 : f32
      %eq3A_222 = vector.broadcast %eq3A_221 : f32 to vector<16xf32>
      %eq3A_223 = arith.cmpf oeq, %add3A_220, %eq3A_222 : vector<16xf32>
      %jit3A_224 = arith.constant 0.000000e+00 : f32
      %broadcast_in_dim3A_225 = vector.broadcast %jit3A_224 : f32 to vector<16xf32>
      %select_n3A_226 = arith.select %eq3A_223, %broadcast_in_dim3A_225, %get3A_217 : vector<16xi1>, vector<16xf32>
      %swap3A_227 = arith.index_cast %scan3A_74 : i32 to index
      %swap3A_228 = arith.constant 128 : index
      %swap3A_229 = tpu.vector_load %arg5[%swap3A_227, %swap3A_228] {strides = array<i32>} : memref<64x330xf32, #tpu.memory_space<vmem>>, vector<1x16xf32>,
      %swap3A_230 = vector.shape_cast %swap3A_229 : vector<1x16xf32> to vector<16xf32>
      %swap3A_231 = vector.shape_cast %select_n3A_226 : vector<16xf32> to vector<1x16xf32>
      tpu.vector_store %arg5[%swap3A_227, %swap3A_228], %swap3A_231 {strides = array<i32>} : memref<64x330xf32, #tpu.memory_space<vmem>>, vector<1x16xf32>,
      %get3A_232 = arith.index_cast %scan3A_74 : i32 to index
      %get3A_233 = arith.constant 144 : index
      %get3A_234 = tpu.vector_load %arg5[%get3A_232, %get3A_233] {strides = array<i32>} : memref<64x330xf32, #tpu.memory_space<vmem>>, vector<1x16xf32>,
      %get3A_235 = vector.shape_cast %get3A_234 : vector<1x16xf32> to vector<16xf32>
      %gather3A_236 = vector.shape_cast %broadcast_in_dim3A : vector<16x1xi32> to vector<16xi32>
      %gather3A_237 = tpu.dynamic_gather %get3A_235[%gather3A_236] in [0] : vector<16xf32>, vector<16xi32> -> vector<16xf32>
      %add3A_238 = arith.addf %gather3A_237, %get3A_35 : vector<16xf32>
      %eq3A_239 = arith.constant 0.000000e+00 : f32
      %eq3A_240 = vector.broadcast %eq3A_239 : f32 to vector<16xf32>
      %eq3A_241 = arith.cmpf oeq, %add3A_238, %eq3A_240 : vector<16xf32>
      %jit3A_242 = arith.constant 0.000000e+00 : f32
      %broadcast_in_dim3A_243 = vector.broadcast %jit3A_242 : f32 to vector<16xf32>
      %select_n3A_244 = arith.select %eq3A_241, %broadcast_in_dim3A_243, %get3A_235 : vector<16xi1>, vector<16xf32>
      %swap3A_245 = arith.index_cast %scan3A_74 : i32 to index
      %swap3A_246 = arith.constant 144 : index
      %swap3A_247 = tpu.vector_load %arg5[%swap3A_245, %swap3A_246] {strides = array<i32>} : memref<64x330xf32, #tpu.memory_space<vmem>>, vector<1x16xf32>,
      %swap3A_248 = vector.shape_cast %swap3A_247 : vector<1x16xf32> to vector<16xf32>
      %swap3A_249 = vector.shape_cast %select_n3A_244 : vector<16xf32> to vector<1x16xf32>
      tpu.vector_store %arg5[%swap3A_245, %swap3A_246], %swap3A_249 {strides = array<i32>} : memref<64x330xf32, #tpu.memory_space<vmem>>, vector<1x16xf32>,
      %get3A_250 = arith.index_cast %scan3A_74 : i32 to index
      %get3A_251 = arith.constant 160 : index
      %get3A_252 = tpu.vector_load %arg5[%get3A_250, %get3A_251] {strides = array<i32>} : memref<64x330xf32, #tpu.memory_space<vmem>>, vector<1x16xf32>,
      %get3A_253 = vector.shape_cast %get3A_252 : vector<1x16xf32> to vector<16xf32>
      %gather3A_254 = vector.shape_cast %broadcast_in_dim3A : vector<16x1xi32> to vector<16xi32>
      %gather3A_255 = tpu.dynamic_gather %get3A_253[%gather3A_254] in [0] : vector<16xf32>, vector<16xi32> -> vector<16xf32>
      %add3A_256 = arith.addf %gather3A_255, %get3A_38 : vector<16xf32>
      %eq3A_257 = arith.constant 0.000000e+00 : f32
      %eq3A_258 = vector.broadcast %eq3A_257 : f32 to vector<16xf32>
      %eq3A_259 = arith.cmpf oeq, %add3A_256, %eq3A_258 : vector<16xf32>
      %jit3A_260 = arith.constant 0.000000e+00 : f32
      %broadcast_in_dim3A_261 = vector.broadcast %jit3A_260 : f32 to vector<16xf32>
      %select_n3A_262 = arith.select %eq3A_259, %broadcast_in_dim3A_261, %get3A_253 : vector<16xi1>, vector<16xf32>
      %swap3A_263 = arith.index_cast %scan3A_74 : i32 to index
      %swap3A_264 = arith.constant 160 : index
      %swap3A_265 = tpu.vector_load %arg5[%swap3A_263, %swap3A_264] {strides = array<i32>} : memref<64x330xf32, #tpu.memory_space<vmem>>, vector<1x16xf32>,
      %swap3A_266 = vector.shape_cast %swap3A_265 : vector<1x16xf32> to vector<16xf32>
      %swap3A_267 = vector.shape_cast %select_n3A_262 : vector<16xf32> to vector<1x16xf32>
      tpu.vector_store %arg5[%swap3A_263, %swap3A_264], %swap3A_267 {strides = array<i32>} : memref<64x330xf32, #tpu.memory_space<vmem>>, vector<1x16xf32>,
      %get3A_268 = arith.index_cast %scan3A_74 : i32 to index
      %get3A_269 = arith.constant 176 : index
      %get3A_270 = tpu.vector_load %arg5[%get3A_268, %get3A_269] {strides = array<i32>} : memref<64x330xf32, #tpu.memory_space<vmem>>, vector<1x16xf32>,
      %get3A_271 = vector.shape_cast %get3A_270 : vector<1x16xf32> to vector<16xf32>
      %gather3A_272 = vector.shape_cast %broadcast_in_dim3A : vector<16x1xi32> to vector<16xi32>
      %gather3A_273 = tpu.dynamic_gather %get3A_271[%gather3A_272] in [0] : vector<16xf32>, vector<16xi32> -> vector<16xf32>
      %add3A_274 = arith.addf %gather3A_273, %get3A_41 : vector<16xf32>
      %eq3A_275 = arith.constant 0.000000e+00 : f32
      %eq3A_276 = vector.broadcast %eq3A_275 : f32 to vector<16xf32>
      %eq3A_277 = arith.cmpf oeq, %add3A_274, %eq3A_276 : vector<16xf32>
      %jit3A_278 = arith.constant 0.000000e+00 : f32
      %broadcast_in_dim3A_279 = vector.broadcast %jit3A_278 : f32 to vector<16xf32>
      %select_n3A_280 = arith.select %eq3A_277, %broadcast_in_dim3A_279, %get3A_271 : vector<16xi1>, vector<16xf32>
      %swap3A_281 = arith.index_cast %scan3A_74 : i32 to index
      %swap3A_282 = arith.constant 176 : index
      %swap3A_283 = tpu.vector_load %arg5[%swap3A_281, %swap3A_282] {strides = array<i32>} : memref<64x330xf32, #tpu.memory_space<vmem>>, vector<1x16xf32>,
      %swap3A_284 = vector.shape_cast %swap3A_283 : vector<1x16xf32> to vector<16xf32>
      %swap3A_285 = vector.shape_cast %select_n3A_280 : vector<16xf32> to vector<1x16xf32>
      tpu.vector_store %arg5[%swap3A_281, %swap3A_282], %swap3A_285 {strides = array<i32>} : memref<64x330xf32, #tpu.memory_space<vmem>>, vector<1x16xf32>,
      %get3A_286 = arith.index_cast %scan3A_74 : i32 to index
      %get3A_287 = arith.constant 192 : index
      %get3A_288 = tpu.vector_load %arg5[%get3A_286, %get3A_287] {strides = array<i32>} : memref<64x330xf32, #tpu.memory_space<vmem>>, vector<1x16xf32>,
      %get3A_289 = vector.shape_cast %get3A_288 : vector<1x16xf32> to vector<16xf32>
      %gather3A_290 = vector.shape_cast %broadcast_in_dim3A : vector<16x1xi32> to vector<16xi32>
      %gather3A_291 = tpu.dynamic_gather %get3A_289[%gather3A_290] in [0] : vector<16xf32>, vector<16xi32> -> vector<16xf32>
      %add3A_292 = arith.addf %gather3A_291, %get3A_44 : vector<16xf32>
      %eq3A_293 = arith.constant 0.000000e+00 : f32
      %eq3A_294 = vector.broadcast %eq3A_293 : f32 to vector<16xf32>
      %eq3A_295 = arith.cmpf oeq, %add3A_292, %eq3A_294 : vector<16xf32>
      %jit3A_296 = arith.constant 0.000000e+00 : f32
      %broadcast_in_dim3A_297 = vector.broadcast %jit3A_296 : f32 to vector<16xf32>
      %select_n3A_298 = arith.select %eq3A_295, %broadcast_in_dim3A_297, %get3A_289 : vector<16xi1>, vector<16xf32>
      %swap3A_299 = arith.index_cast %scan3A_74 : i32 to index
      %swap3A_300 = arith.constant 192 : index
      %swap3A_301 = tpu.vector_load %arg5[%swap3A_299, %swap3A_300] {strides = array<i32>} : memref<64x330xf32, #tpu.memory_space<vmem>>, vector<1x16xf32>,
      %swap3A_302 = vector.shape_cast %swap3A_301 : vector<1x16xf32> to vector<16xf32>
      %swap3A_303 = vector.shape_cast %select_n3A_298 : vector<16xf32> to vector<1x16xf32>
      tpu.vector_store %arg5[%swap3A_299, %swap3A_300], %swap3A_303 {strides = array<i32>} : memref<64x330xf32, #tpu.memory_space<vmem>>, vector<1x16xf32>,
      %get3A_304 = arith.index_cast %scan3A_74 : i32 to index
      %get3A_305 = arith.constant 208 : index
      %get3A_306 = tpu.vector_load %arg5[%get3A_304, %get3A_305] {strides = array<i32>} : memref<64x330xf32, #tpu.memory_space<vmem>>, vector<1x16xf32>,
      %get3A_307 = vector.shape_cast %get3A_306 : vector<1x16xf32> to vector<16xf32>
      %gather3A_308 = vector.shape_cast %broadcast_in_dim3A : vector<16x1xi32> to vector<16xi32>
      %gather3A_309 = tpu.dynamic_gather %get3A_307[%gather3A_308] in [0] : vector<16xf32>, vector<16xi32> -> vector<16xf32>
      %add3A_310 = arith.addf %gather3A_309, %get3A_47 : vector<16xf32>
      %eq3A_311 = arith.constant 0.000000e+00 : f32
      %eq3A_312 = vector.broadcast %eq3A_311 : f32 to vector<16xf32>
      %eq3A_313 = arith.cmpf oeq, %add3A_310, %eq3A_312 : vector<16xf32>
      %jit3A_314 = arith.constant 0.000000e+00 : f32
      %broadcast_in_dim3A_315 = vector.broadcast %jit3A_314 : f32 to vector<16xf32>
      %select_n3A_316 = arith.select %eq3A_313, %broadcast_in_dim3A_315, %get3A_307 : vector<16xi1>, vector<16xf32>
      %swap3A_317 = arith.index_cast %scan3A_74 : i32 to index
      %swap3A_318 = arith.constant 208 : index
      %swap3A_319 = tpu.vector_load %arg5[%swap3A_317, %swap3A_318] {strides = array<i32>} : memref<64x330xf32, #tpu.memory_space<vmem>>, vector<1x16xf32>,
      %swap3A_320 = vector.shape_cast %swap3A_319 : vector<1x16xf32> to vector<16xf32>
      %swap3A_321 = vector.shape_cast %select_n3A_316 : vector<16xf32> to vector<1x16xf32>
      tpu.vector_store %arg5[%swap3A_317, %swap3A_318], %swap3A_321 {strides = array<i32>} : memref<64x330xf32, #tpu.memory_space<vmem>>, vector<1x16xf32>,
      %get3A_322 = arith.index_cast %scan3A_74 : i32 to index
      %get3A_323 = arith.constant 224 : index
      %get3A_324 = tpu.vector_load %arg5[%get3A_322, %get3A_323] {strides = array<i32>} : memref<64x330xf32, #tpu.memory_space<vmem>>, vector<1x16xf32>,
      %get3A_325 = vector.shape_cast %get3A_324 : vector<1x16xf32> to vector<16xf32>
      %gather3A_326 = vector.shape_cast %broadcast_in_dim3A : vector<16x1xi32> to vector<16xi32>
      %gather3A_327 = tpu.dynamic_gather %get3A_325[%gather3A_326] in [0] : vector<16xf32>, vector<16xi32> -> vector<16xf32>
      %add3A_328 = arith.addf %gather3A_327, %get3A_50 : vector<16xf32>
      %eq3A_329 = arith.constant 0.000000e+00 : f32
      %eq3A_330 = vector.broadcast %eq3A_329 : f32 to vector<16xf32>
      %eq3A_331 = arith.cmpf oeq, %add3A_328, %eq3A_330 : vector<16xf32>
      %jit3A_332 = arith.constant 0.000000e+00 : f32
      %broadcast_in_dim3A_333 = vector.broadcast %jit3A_332 : f32 to vector<16xf32>
      %select_n3A_334 = arith.select %eq3A_331, %broadcast_in_dim3A_333, %get3A_325 : vector<16xi1>, vector<16xf32>
      %swap3A_335 = arith.index_cast %scan3A_74 : i32 to index
      %swap3A_336 = arith.constant 224 : index
      %swap3A_337 = tpu.vector_load %arg5[%swap3A_335, %swap3A_336] {strides = array<i32>} : memref<64x330xf32, #tpu.memory_space<vmem>>, vector<1x16xf32>,
      %swap3A_338 = vector.shape_cast %swap3A_337 : vector<1x16xf32> to vector<16xf32>
      %swap3A_339 = vector.shape_cast %select_n3A_334 : vector<16xf32> to vector<1x16xf32>
      tpu.vector_store %arg5[%swap3A_335, %swap3A_336], %swap3A_339 {strides = array<i32>} : memref<64x330xf32, #tpu.memory_space<vmem>>, vector<1x16xf32>,
      %get3A_340 = arith.index_cast %scan3A_74 : i32 to index
      %get3A_341 = arith.constant 240 : index
      %get3A_342 = tpu.vector_load %arg5[%get3A_340, %get3A_341] {strides = array<i32>} : memref<64x330xf32, #tpu.memory_space<vmem>>, vector<1x16xf32>,
      %get3A_343 = vector.shape_cast %get3A_342 : vector<1x16xf32> to vector<16xf32>
      %gather3A_344 = vector.shape_cast %broadcast_in_dim3A : vector<16x1xi32> to vector<16xi32>
      %gather3A_345 = tpu.dynamic_gather %get3A_343[%gather3A_344] in [0] : vector<16xf32>, vector<16xi32> -> vector<16xf32>
      %add3A_346 = arith.addf %gather3A_345, %get3A_53 : vector<16xf32>
      %eq3A_347 = arith.constant 0.000000e+00 : f32
      %eq3A_348 = vector.broadcast %eq3A_347 : f32 to vector<16xf32>
      %eq3A_349 = arith.cmpf oeq, %add3A_346, %eq3A_348 : vector<16xf32>
      %jit3A_350 = arith.constant 0.000000e+00 : f32
      %broadcast_in_dim3A_351 = vector.broadcast %jit3A_350 : f32 to vector<16xf32>
      %select_n3A_352 = arith.select %eq3A_349, %broadcast_in_dim3A_351, %get3A_343 : vector<16xi1>, vector<16xf32>
      %swap3A_353 = arith.index_cast %scan3A_74 : i32 to index
      %swap3A_354 = arith.constant 240 : index
      %swap3A_355 = tpu.vector_load %arg5[%swap3A_353, %swap3A_354] {strides = array<i32>} : memref<64x330xf32, #tpu.memory_space<vmem>>, vector<1x16xf32>,
      %swap3A_356 = vector.shape_cast %swap3A_355 : vector<1x16xf32> to vector<16xf32>
      %swap3A_357 = vector.shape_cast %select_n3A_352 : vector<16xf32> to vector<1x16xf32>
      tpu.vector_store %arg5[%swap3A_353, %swap3A_354], %swap3A_357 {strides = array<i32>} : memref<64x330xf32, #tpu.memory_space<vmem>>, vector<1x16xf32>,
      %get3A_358 = arith.index_cast %scan3A_74 : i32 to index
      %get3A_359 = arith.constant 256 : index
      %get3A_360 = tpu.vector_load %arg5[%get3A_358, %get3A_359] {strides = array<i32>} : memref<64x330xf32, #tpu.memory_space<vmem>>, vector<1x16xf32>,
      %get3A_361 = vector.shape_cast %get3A_360 : vector<1x16xf32> to vector<16xf32>
      %gather3A_362 = vector.shape_cast %broadcast_in_dim3A : vector<16x1xi32> to vector<16xi32>
      %gather3A_363 = tpu.dynamic_gather %get3A_361[%gather3A_362] in [0] : vector<16xf32>, vector<16xi32> -> vector<16xf32>
      %add3A_364 = arith.addf %gather3A_363, %get3A_56 : vector<16xf32>
      %eq3A_365 = arith.constant 0.000000e+00 : f32
      %eq3A_366 = vector.broadcast %eq3A_365 : f32 to vector<16xf32>
      %eq3A_367 = arith.cmpf oeq, %add3A_364, %eq3A_366 : vector<16xf32>
      %jit3A_368 = arith.constant 0.000000e+00 : f32
      %broadcast_in_dim3A_369 = vector.broadcast %jit3A_368 : f32 to vector<16xf32>
      %select_n3A_370 = arith.select %eq3A_367, %broadcast_in_dim3A_369, %get3A_361 : vector<16xi1>, vector<16xf32>
      %swap3A_371 = arith.index_cast %scan3A_74 : i32 to index
      %swap3A_372 = arith.constant 256 : index
      %swap3A_373 = tpu.vector_load %arg5[%swap3A_371, %swap3A_372] {strides = array<i32>} : memref<64x330xf32, #tpu.memory_space<vmem>>, vector<1x16xf32>,
      %swap3A_374 = vector.shape_cast %swap3A_373 : vector<1x16xf32> to vector<16xf32>
      %swap3A_375 = vector.shape_cast %select_n3A_370 : vector<16xf32> to vector<1x16xf32>
      tpu.vector_store %arg5[%swap3A_371, %swap3A_372], %swap3A_375 {strides = array<i32>} : memref<64x330xf32, #tpu.memory_space<vmem>>, vector<1x16xf32>,
      %get3A_376 = arith.index_cast %scan3A_74 : i32 to index
      %get3A_377 = arith.constant 272 : index
      %get3A_378 = tpu.vector_load %arg5[%get3A_376, %get3A_377] {strides = array<i32>} : memref<64x330xf32, #tpu.memory_space<vmem>>, vector<1x16xf32>,
      %get3A_379 = vector.shape_cast %get3A_378 : vector<1x16xf32> to vector<16xf32>
      %gather3A_380 = vector.shape_cast %broadcast_in_dim3A : vector<16x1xi32> to vector<16xi32>
      %gather3A_381 = tpu.dynamic_gather %get3A_379[%gather3A_380] in [0] : vector<16xf32>, vector<16xi32> -> vector<16xf32>
      %add3A_382 = arith.addf %gather3A_381, %get3A_59 : vector<16xf32>
      %eq3A_383 = arith.constant 0.000000e+00 : f32
      %eq3A_384 = vector.broadcast %eq3A_383 : f32 to vector<16xf32>
      %eq3A_385 = arith.cmpf oeq, %add3A_382, %eq3A_384 : vector<16xf32>
      %jit3A_386 = arith.constant 0.000000e+00 : f32
      %broadcast_in_dim3A_387 = vector.broadcast %jit3A_386 : f32 to vector<16xf32>
      %select_n3A_388 = arith.select %eq3A_385, %broadcast_in_dim3A_387, %get3A_379 : vector<16xi1>, vector<16xf32>
      %swap3A_389 = arith.index_cast %scan3A_74 : i32 to index
      %swap3A_390 = arith.constant 272 : index
      %swap3A_391 = tpu.vector_load %arg5[%swap3A_389, %swap3A_390] {strides = array<i32>} : memref<64x330xf32, #tpu.memory_space<vmem>>, vector<1x16xf32>,
      %swap3A_392 = vector.shape_cast %swap3A_391 : vector<1x16xf32> to vector<16xf32>
      %swap3A_393 = vector.shape_cast %select_n3A_388 : vector<16xf32> to vector<1x16xf32>
      tpu.vector_store %arg5[%swap3A_389, %swap3A_390], %swap3A_393 {strides = array<i32>} : memref<64x330xf32, #tpu.memory_space<vmem>>, vector<1x16xf32>,
      %get3A_394 = arith.index_cast %scan3A_74 : i32 to index
      %get3A_395 = arith.constant 288 : index
      %get3A_396 = tpu.vector_load %arg5[%get3A_394, %get3A_395] {strides = array<i32>} : memref<64x330xf32, #tpu.memory_space<vmem>>, vector<1x16xf32>,
      %get3A_397 = vector.shape_cast %get3A_396 : vector<1x16xf32> to vector<16xf32>
      %gather3A_398 = vector.shape_cast %broadcast_in_dim3A : vector<16x1xi32> to vector<16xi32>
      %gather3A_399 = tpu.dynamic_gather %get3A_397[%gather3A_398] in [0] : vector<16xf32>, vector<16xi32> -> vector<16xf32>
      %add3A_400 = arith.addf %gather3A_399, %get3A_62 : vector<16xf32>
      %eq3A_401 = arith.constant 0.000000e+00 : f32
      %eq3A_402 = vector.broadcast %eq3A_401 : f32 to vector<16xf32>
      %eq3A_403 = arith.cmpf oeq, %add3A_400, %eq3A_402 : vector<16xf32>
      %jit3A_404 = arith.constant 0.000000e+00 : f32
      %broadcast_in_dim3A_405 = vector.broadcast %jit3A_404 : f32 to vector<16xf32>
      %select_n3A_406 = arith.select %eq3A_403, %broadcast_in_dim3A_405, %get3A_397 : vector<16xi1>, vector<16xf32>
      %swap3A_407 = arith.index_cast %scan3A_74 : i32 to index
      %swap3A_408 = arith.constant 288 : index
      %swap3A_409 = tpu.vector_load %arg5[%swap3A_407, %swap3A_408] {strides = array<i32>} : memref<64x330xf32, #tpu.memory_space<vmem>>, vector<1x16xf32>,
      %swap3A_410 = vector.shape_cast %swap3A_409 : vector<1x16xf32> to vector<16xf32>
      %swap3A_411 = vector.shape_cast %select_n3A_406 : vector<16xf32> to vector<1x16xf32>
      tpu.vector_store %arg5[%swap3A_407, %swap3A_408], %swap3A_411 {strides = array<i32>} : memref<64x330xf32, #tpu.memory_space<vmem>>, vector<1x16xf32>,
      %get3A_412 = arith.index_cast %scan3A_74 : i32 to index
      %get3A_413 = arith.constant 304 : index
      %get3A_414 = tpu.vector_load %arg5[%get3A_412, %get3A_413] {strides = array<i32>} : memref<64x330xf32, #tpu.memory_space<vmem>>, vector<1x16xf32>,
      %get3A_415 = vector.shape_cast %get3A_414 : vector<1x16xf32> to vector<16xf32>
      %gather3A_416 = vector.shape_cast %broadcast_in_dim3A : vector<16x1xi32> to vector<16xi32>
      %gather3A_417 = tpu.dynamic_gather %get3A_415[%gather3A_416] in [0] : vector<16xf32>, vector<16xi32> -> vector<16xf32>
      %add3A_418 = arith.addf %gather3A_417, %get3A_65 : vector<16xf32>
      %eq3A_419 = arith.constant 0.000000e+00 : f32
      %eq3A_420 = vector.broadcast %eq3A_419 : f32 to vector<16xf32>
      %eq3A_421 = arith.cmpf oeq, %add3A_418, %eq3A_420 : vector<16xf32>
      %jit3A_422 = arith.constant 0.000000e+00 : f32
      %broadcast_in_dim3A_423 = vector.broadcast %jit3A_422 : f32 to vector<16xf32>
      %select_n3A_424 = arith.select %eq3A_421, %broadcast_in_dim3A_423, %get3A_415 : vector<16xi1>, vector<16xf32>
      %get3A_425 = arith.index_cast %scan3A_74 : i32 to index
      %get3A_426 = arith.constant 314 : index
      %get3A_427 = tpu.vector_load %arg5[%get3A_425, %get3A_426] {strides = array<i32>} : memref<64x330xf32, #tpu.memory_space<vmem>>, vector<1x16xf32>,
      %get3A_428 = vector.shape_cast %get3A_427 : vector<1x16xf32> to vector<16xf32>
      %gather3A_429 = vector.shape_cast %broadcast_in_dim3A : vector<16x1xi32> to vector<16xi32>
      %gather3A_430 = tpu.dynamic_gather %get3A_428[%gather3A_429] in [0] : vector<16xf32>, vector<16xi32> -> vector<16xf32>
      %add3A_431 = arith.addf %gather3A_430, %get3A_68 : vector<16xf32>
      %eq3A_432 = arith.constant 0.000000e+00 : f32
      %eq3A_433 = vector.broadcast %eq3A_432 : f32 to vector<16xf32>
      %eq3A_434 = arith.cmpf oeq, %add3A_431, %eq3A_433 : vector<16xf32>
      %jit3A_435 = arith.constant 0.000000e+00 : f32
      %broadcast_in_dim3A_436 = vector.broadcast %jit3A_435 : f32 to vector<16xf32>
      %select_n3A_437 = arith.select %eq3A_434, %broadcast_in_dim3A_436, %get3A_428 : vector<16xi1>, vector<16xf32>
      %swap3A_438 = arith.index_cast %scan3A_74 : i32 to index
      %swap3A_439 = arith.constant 314 : index
      %swap3A_440 = tpu.vector_load %arg5[%swap3A_438, %swap3A_439] {strides = array<i32>} : memref<64x330xf32, #tpu.memory_space<vmem>>, vector<1x16xf32>,
      %swap3A_441 = vector.shape_cast %swap3A_440 : vector<1x16xf32> to vector<16xf32>
      %swap3A_442 = vector.shape_cast %select_n3A_437 : vector<16xf32> to vector<1x16xf32>
      tpu.vector_store %arg5[%swap3A_438, %swap3A_439], %swap3A_442 {strides = array<i32>} : memref<64x330xf32, #tpu.memory_space<vmem>>, vector<1x16xf32>,
      %swap3A_443 = arith.index_cast %scan3A_74 : i32 to index
      %swap3A_444 = arith.constant 304 : index
      %swap3A_445 = tpu.vector_load %arg5[%swap3A_443, %swap3A_444] {strides = array<i32>} : memref<64x330xf32, #tpu.memory_space<vmem>>, vector<1x16xf32>,
      %swap3A_446 = vector.shape_cast %swap3A_445 : vector<1x16xf32> to vector<16xf32>
      %swap3A_447 = vector.shape_cast %select_n3A_424 : vector<16xf32> to vector<1x16xf32>
      tpu.vector_store %arg5[%swap3A_443, %swap3A_444], %swap3A_447 {strides = array<i32>} : memref<64x330xf32, #tpu.memory_space<vmem>>, vector<1x16xf32>,
    }
    %scan3A_73 = arith.constant 64 : i32
    "tpu.region"() ({
      %run_scoped3A = tpu.sem_alloc : memref<!tpu.dma_semaphore, #tpu.memory_space<semaphore_mem>>
      %dma_start3A = arith.constant 0 : i32
      %dma_start3A_74 = tpu.memref_slice %arg4[%mul3A_2, %dma_start3A] : memref<2048x330xf32, #tpu.memory_space<hbm>> -> memref<64x330xf32, #tpu.memory_space<hbm>>
      %dma_start3A_75 = arith.constant 0 : i32
      %dma_start3A_76 = tpu.memref_slice %arg4[%mul3A_2, %dma_start3A_75] : memref<2048x330xf32, #tpu.memory_space<hbm>> -> memref<64x330xf32, #tpu.memory_space<hbm>>
      tpu.enqueue_dma source(%arg5 : memref<64x330xf32, #tpu.memory_space<vmem>>) target(%dma_start3A_76 : memref<64x330xf32, #tpu.memory_space<hbm>>) target_semaphore(%run_scoped3A : memref<!tpu.dma_semaphore, #tpu.memory_space<semaphore_mem>>)
      %dma_wait3A = arith.constant 0 : i32
      %dma_wait3A_77 = tpu.memref_slice %arg4[%mul3A_2, %dma_wait3A] : memref<2048x330xf32, #tpu.memory_space<hbm>> -> memref<64x330xf32, #tpu.memory_space<hbm>>
      %dma_wait3A_78 = arith.constant 0 : i32
      %dma_wait3A_79 = tpu.memref_slice %arg4[%mul3A_2, %dma_wait3A_78] : memref<2048x330xf32, #tpu.memory_space<hbm>> -> memref<64x330xf32, #tpu.memory_space<hbm>>
      tpu.wait_dma2 semaphore(%run_scoped3A : memref<!tpu.dma_semaphore, #tpu.memory_space<semaphore_mem>>) src(%arg5 : memref<64x330xf32, #tpu.memory_space<vmem>>) dst(%dma_wait3A_79 : memref<64x330xf32, #tpu.memory_space<hbm>>)
      tpu.yield
    }) : () -> ()
    return
  }
}

module attributes {stable_mosaic.version = 14 : i64} {
  func.func @_tc_block(%arg0: i32, %arg1: memref<2048x330xf32, #tpu.memory_space<vmem>>, %arg2: memref<2048x330xf32, #tpu.memory_space<vmem>>) attributes {dimension_semantics = [#tpu.dimension_semantics<arbitrary>], iteration_bounds = array<i64: 7>, scalar_prefetch = 0 : i64, scratch_operands = 0 : i64, tpu.core_type = #tpu.core_type<tc>, window_params = [{transform_indices = @transform_0, window_bounds = array<i64: 2048, 330>}, {transform_indices = @transform_1, window_bounds = array<i64: 2048, 330>}]} {
    %get3A = arith.constant 0 : index
    %get3A_0 = arith.constant 0 : index
    %get3A_1 = vector.load %arg1[%get3A, %get3A_0] : memref<2048x330xf32, #tpu.memory_space<vmem>>, vector<2048x330xf32>
    %slice3A = vector.extract_strided_slice %get3A_1 {offsets = [0, 329], sizes = [2048, 1], strides = [1, 1]} : vector<2048x330xf32> to vector<2048x1xf32>
    %slice3A_2 = vector.extract_strided_slice %get3A_1 {offsets = [0, 0], sizes = [2048, 329], strides = [1, 1]} : vector<2048x330xf32> to vector<2048x329xf32>
    %concatenate3A = tpu.concatenate %slice3A, %slice3A_2 in 1 : vector<2048x1xf32>, vector<2048x329xf32> -> vector<2048x330xf32>
    %iota3A = tpu.iota {dimensions = array<i32: 1>} : vector<2048x330xi32>
    %and3A = arith.constant 1 : i32
    %and3A_3 = vector.broadcast %and3A : i32 to vector<2048x330xi32>
    %and3A_4 = arith.andi %iota3A, %and3A_3 : vector<2048x330xi32>
    %eq3A = arith.constant 1 : i32
    %eq3A_5 = vector.broadcast %eq3A : i32 to vector<2048x330xi32>
    %eq3A_6 = arith.cmpi eq, %and3A_4, %eq3A_5 : vector<2048x330xi32>
    %lt3A = arith.constant 312 : i32
    %lt3A_7 = vector.broadcast %lt3A : i32 to vector<2048x330xi32>
    %lt3A_8 = arith.cmpi slt, %iota3A, %lt3A_7 : vector<2048x330xi32>
    %jit3A = arith.constant 26 : i32
    %eq3A_9 = arith.constant 0 : i32
    %eq3A_10 = arith.cmpi eq, %jit3A, %eq3A_9 : i32
    %jit3A_11 = arith.constant 1 : i32
    %select_n3A = arith.select %eq3A_10, %jit3A_11, %jit3A : i32
    %rem3A = vector.broadcast %select_n3A : i32 to vector<2048x330xi32>
    %rem3A_12 = arith.remsi %iota3A, %rem3A : vector<2048x330xi32>
    %ne3A = arith.constant 0 : i32
    %ne3A_13 = vector.broadcast %ne3A : i32 to vector<2048x330xi32>
    %ne3A_14 = arith.cmpi ne, %rem3A_12, %ne3A_13 : vector<2048x330xi32>
    %lt3A_15 = arith.constant 0 : i32
    %lt3A_16 = vector.broadcast %lt3A_15 : i32 to vector<2048x330xi32>
    %lt3A_17 = arith.cmpi slt, %rem3A_12, %lt3A_16 : vector<2048x330xi32>
    %lt3A_18 = arith.constant 0 : i32
    %lt3A_19 = arith.cmpi slt, %select_n3A, %lt3A_18 : i32
    %ne3A_20 = vector.broadcast %lt3A_19 : i1 to vector<2048x330xi1>
    %ne3A_21 = vector.broadcast %ne3A_20 : vector<2048x330xi1> to vector<2048x330xi1>
    %ne3A_22 = arith.xori %lt3A_17, %ne3A_21 : vector<2048x330xi1>
    %and3A_23 = arith.andi %ne3A_22, %ne3A_14 : vector<2048x330xi1>
    %add3A = vector.broadcast %select_n3A : i32 to vector<2048x330xi32>
    %add3A_24 = arith.addi %rem3A_12, %add3A : vector<2048x330xi32>
    %select_n3A_25 = arith.select %and3A_23, %add3A_24, %rem3A_12 : vector<2048x330xi1>, vector<2048x330xi32>
    %lt3A_26 = arith.constant 24 : i32
    %lt3A_27 = vector.broadcast %lt3A_26 : i32 to vector<2048x330xi32>
    %lt3A_28 = arith.cmpi slt, %select_n3A_25, %lt3A_27 : vector<2048x330xi32>
    %and3A_29 = arith.andi %lt3A_8, %lt3A_28 : vector<2048x330xi1>
    %ge3A = arith.constant 312 : i32
    %ge3A_30 = vector.broadcast %ge3A : i32 to vector<2048x330xi32>
    %ge3A_31 = arith.cmpi sge, %iota3A, %ge3A_30 : vector<2048x330xi32>
    %lt3A_32 = arith.constant 328 : i32
    %lt3A_33 = vector.broadcast %lt3A_32 : i32 to vector<2048x330xi32>
    %lt3A_34 = arith.cmpi slt, %iota3A, %lt3A_33 : vector<2048x330xi32>
    %and3A_35 = arith.andi %ge3A_31, %lt3A_34 : vector<2048x330xi1>
    %or3A = arith.ori %and3A_29, %and3A_35 : vector<2048x330xi1>
    %and3A_36 = arith.andi %eq3A_6, %or3A : vector<2048x330xi1>
    %eq3A_37 = arith.constant 0.000000e+00 : f32
    %eq3A_38 = vector.broadcast %eq3A_37 : f32 to vector<2048x330xf32>
    %eq3A_39 = arith.cmpf oeq, %concatenate3A, %eq3A_38 : vector<2048x330xf32>
    %and3A_40 = arith.andi %and3A_36, %eq3A_39 : vector<2048x330xi1>
    %jit3A_41 = arith.constant 0.000000e+00 : f32
    %broadcast_in_dim3A = vector.broadcast %jit3A_41 : f32 to vector<2048x330xf32>
    %select_n3A_42 = arith.select %and3A_40, %broadcast_in_dim3A, %get3A_1 : vector<2048x330xi1>, vector<2048x330xf32>
    %swap3A = arith.constant 0 : index
    %swap3A_43 = arith.constant 0 : index
    %swap3A_44 = vector.load %arg2[%swap3A, %swap3A_43] : memref<2048x330xf32, #tpu.memory_space<vmem>>, vector<2048x330xf32>
    tpu.vector_store %arg2[%swap3A, %swap3A_43], %select_n3A_42 {strides = array<i32>} : memref<2048x330xf32, #tpu.memory_space<vmem>>, vector<2048x330xf32>,
    return
  }
  func.func @transform_0(%arg0: i32) -> (i32, i32) {
    %add3A = arith.constant 1 : i32
    %add3A_0 = arith.addi %arg0, %add3A : i32
    %c0_i32 = arith.constant 0 : i32
    %c0_i32_1 = arith.constant 0 : i32
    return %add3A_0, %c0_i32 : i32, i32
  }
  func.func @transform_1(%arg0: i32) -> (i32, i32) {
    %add3A = arith.constant 1 : i32
    %add3A_0 = arith.addi %arg0, %add3A : i32
    %c0_i32 = arith.constant 0 : i32
    %c0_i32_1 = arith.constant 0 : i32
    return %add3A_0, %c0_i32 : i32, i32
  }
}

</mosaic_0001>

<sc_bundles>
// kernel: kernel.4.cloned.1.call-start
scs
__scs_entry_jumppad:
0x0: {  	(pc) =	sbr.rel $0x88, $3  }
0x1: {  	(tag) =	ssettag $0x0;
	lr =	simm.s32 $0x1  }
0x2: {  	[smem:$0x3FA0] =	sst lr;
	_ =	strace $0xD0000000  }
0x3: {  	_ = 	snop  }
0x4: {  	_ = 	snop  }
0x5: {  	_ = 	snop  }
0x6: {  	_ = 	snop  }
0x7: {  	_ = 	snop  }
__scs_overlays_trampoline_lowered:
0x8: {  	[smem:$0x3FAF] =	sst s0  }
0x9: {  	[smem:$0x3FB0] =	sst s1  }
0xa: {  	[smem:$0x3FB1] =	sst s2  }
0xb: {  	[smem:$0x3FB2] =	sst s3  }
0xc: {  	[smem:$0x3FB3] =	sst s4  }
0xd: {  	[smem:$0x3FB4] =	sst s5  }
0xe: {  	[smem:$0x3FB5] =	sst s6  }
0xf: {  	[smem:$0x3FB6] =	sst s7  }
0x10: {  	[smem:$0x3FB7] =	sst s8  }
0x11: {  	[smem:$0x3FB8] =	sst s9;
	s0 =	simm.s32 @!p0 $0x0  }
0x12: {  	s1 =	sld [smem:$0x3F9E];
	s0 =	simm.s32 @p0 $0x1  }
0x13: {  	[smem:$0x3FB9] =	sst s0;
	s0 =	simm.s32 @!p1 $0x0  }
0x14: {  	s2 =	sld [smem:$0x3F9D];
	s0 =	simm.s32 @p1 $0x1  }
0x15: {  	[smem:$0x3FBA] =	sst s0;
	s0 =	simm.s32 @!p2 $0x0  }
0x16: {  	s3 =	sld [smem:$0x3FDB];
	s0 =	simm.s32 @p2 $0x1  }
0x17: {  	s4 =	simm.s32 $0x1BF5;
	[smem:$0x3FBC] =	sst s0  }
0x18: {  	s0 =	sld [smem:$0x3F9F];
	_ =	swait.ge [sflag:s4], $0x0  }
0x19: {  	s7 =	sld [smem:$0x3FA0]  }
0x1a: {  	s8 =	sadd.s32 $0xFFFFE003, lr  }
0x1b: {  	s9 =	sadd.s32 $0xFFFFFEF7, lr;
	s5 =	simm.s32 $0xFFFFFFFF;
	p2 =	slt.u32 s8, $0xFFFFF086  }
0x1c: {  	p1 =	slt.u32 s9, $0xF7A;
	s5 =	simm.s32 @!p2 $0x0  }
0x1d: {  	s5 =	simm.s32 @p1 $0x1;
	p0 =	seq.s32 s7, s2  }
0x1e: {  	s7 =	smul.u32 @!p0 $0xF7A, s2;
	p2 =	seq.s32 @!p0 s5, $0x0  }
0x1f: {  	s9 =	smul.u32 $0xF7A, s1;
	s8 =	simm.s32 @!p0 $0x1BF5;
	p2 =	por !p2, p0  }
0x20: {  	[sflag:s8] =	ssyncset.s32 @!p0 $0xFFFFF086;
	s6 =	sadd.s32 @!p0 s3, s7;
	s7 =	simm.s32 @!p0 $0x108  }
0x21: {  	s3 =	sadd.s32 s3, s9;
	s6 =	sadd.s32 @!p0 $0x88, s6;
	s7 =	simm.s32 @p2 $0x1082  }
0x22: {  	[simem:s7], [sflag:s8] =	dma.local @!p0 [hbm:s6], $0xF7A  }
0x23: {  	s9 =	sor.u32 $0xD0000000, s2;
	s6 =	simm.s32 $0x108;
	_ =	swait.ge @!p0 [sflag:s8], $0x0  }
0x24: {  	s3 =	sadd.s32 $0x88, s3;
	s6 =	simm.s32 @!p1 $0x1082;
	[sflag:s4] =	ssyncset.s32 $0xFFFFF086  }
0x25: {  	[simem:s6], [sflag:s4] =	dma.local [hbm:s3], $0xF7A  }
0x26: {  	[smem:$0x3FA0] =	sst s1;
	(tag) =	ssettag s2;
	_ =	strace s9  }
0x27: {  	s1 =	sld [smem:$0x3FB0]  }
0x28: {  	s2 =	sld [smem:$0x3FB1]  }
0x29: {  	s4 =	sld [smem:$0x3FB3]  }
0x2a: {  	p0 =	seq.s32 s5, $0x0;
	s5 =	sld [smem:$0x3FB4]  }
0x2b: {  	s6 =	sld [smem:$0x3FB5]  }
0x2c: {  	s7 =	sld [smem:$0x3FB6]  }
0x2d: {  	s3 =	simm.s32 $0x108;
	s8 =	sld [smem:$0x3FB7]  }
0x2e: {  	s3 =	simm.s32 @!p0 $0x1082;
	s9 =	sld [smem:$0x3FB8]  }
0x2f: {  	lr =	sadd.s32 s0, s3;
	s0 =	sld [smem:$0x3FAF]  }
0x30: {  	s3 =	sld [smem:$0x3FB2]  }
0x31: {  	[smem:$0x3FBB] =	sst s10  }
0x32: {  	s10 =	sld [smem:$0x3FB9];
	_ =	sdelay $0x3  }
0x33: {  	p0 =	seq.s32 s10, $0x1;
	s10 =	sld [smem:$0x3FBB];
	_ =	sdelay $0x3  }
0x34: {  	[smem:$0x3FBB] =	sst s10  }
0x35: {  	s10 =	sld [smem:$0x3FBA];
	_ =	sdelay $0x3  }
0x36: {  	p1 =	seq.s32 s10, $0x1;
	s10 =	sld [smem:$0x3FBB];
	_ =	sdelay $0x3  }
0x37: {  	[smem:$0x3FBB] =	sst s10  }
0x38: {  	s10 =	sld [smem:$0x3FBC]  }
0x39: {  	_ = 	snop;
	(pc) =	sbr.ind lr, $3  }
0x3a: {  	_ = 	snop  }
0x3b: {  	_ = 	snop  }
0x3c: {  	p2 =	seq.s32 s10, $0x1;
	s10 =	sld [smem:$0x3FBB]  }
0x3d: {  	_ =	shalt  }
0x3e: {  	_ =	shalt  }
0x3f: {  	_ =	shalt  }
0x40: {  	_ =	shalt  }
0x41: {  	_ =	shalt  }
0x42: {  	_ =	shalt  }
0x43: {  	_ =	shalt  }
0x44: {  	_ =	shalt  }
0x45: {  	_ =	shalt  }
0x46: {  	_ =	shalt  }
0x47: {  	_ =	shalt  }
0x48: {  	_ =	shalt  }
0x49: {  	_ =	shalt  }
0x4a: {  	_ =	shalt  }
0x4b: {  	_ =	shalt  }
0x4c: {  	_ =	shalt  }
0x4d: {  	_ =	shalt  }
0x4e: {  	_ =	shalt  }
0x4f: {  	_ =	shalt  }
0x50: {  	_ =	shalt  }
0x51: {  	_ =	shalt  }
0x52: {  	_ =	shalt  }
0x53: {  	_ =	shalt  }
0x54: {  	_ =	shalt  }
0x55: {  	_ =	shalt  }
0x56: {  	_ =	shalt  }
0x57: {  	_ =	shalt  }
0x58: {  	_ =	shalt  }
0x59: {  	_ =	shalt  }
0x5a: {  	_ =	shalt  }
0x5b: {  	_ =	shalt  }
0x5c: {  	_ =	shalt  }
0x5d: {  	_ =	shalt  }
0x5e: {  	_ =	shalt  }
0x5f: {  	_ =	shalt  }
0x60: {  	_ =	shalt  }
0x61: {  	_ =	shalt  }
0x62: {  	_ =	shalt  }
0x63: {  	_ =	shalt  }
0x64: {  	_ =	shalt  }
0x65: {  	_ =	shalt  }
0x66: {  	_ =	shalt  }
0x67: {  	_ =	shalt  }
0x68: {  	_ =	shalt  }
0x69: {  	_ =	shalt  }
0x6a: {  	_ =	shalt  }
0x6b: {  	_ =	shalt  }
0x6c: {  	_ =	shalt  }
0x6d: {  	_ =	shalt  }
0x6e: {  	_ =	shalt  }
0x6f: {  	_ =	shalt  }
0x70: {  	_ =	shalt  }
0x71: {  	_ =	shalt  }
0x72: {  	_ =	shalt  }
0x73: {  	_ =	shalt  }
0x74: {  	_ =	shalt  }
0x75: {  	_ =	shalt  }
0x76: {  	_ =	shalt  }
0x77: {  	_ =	shalt  }
0x78: {  	_ =	shalt  }
0x79: {  	_ =	shalt  }
0x7a: {  	_ =	shalt  }
0x7b: {  	_ =	shalt  }
0x7c: {  	_ =	shalt  }
0x7d: {  	_ =	shalt  }
0x7e: {  	_ =	shalt  }
0x7f: {  	_ =	shalt  }
0x80: {  	_ =	shalt  }
0x81: {  	_ =	shalt  }
0x82: {  	_ =	shalt  }
0x83: {  	_ =	shalt  }
0x84: {  	_ =	shalt  }
0x85: {  	_ =	shalt  }
0x86: {  	_ =	shalt  }
0x87: {  	_ =	shalt  }
.Lfunc_end0:
.L_simem_size_0:
called_computation_lowered:
.L_overlay_start_0:
0x88: {  	s2 =	sld [smem:$0x3FD9]  }
0x89: {  	s3 =	sld [smem:$0x3FFE];
	_ =	sdelay $0x1  }
0x8a: {  	s1 =	srdreg.scid  }
0x8b: {  	s0 =	sand.u32 $0x1, s1  }
0x8c: {  	s17 =	sshll.u32 s0, $0xA;
	s2 =	sadd.s32 s3, s2  }
0x8d: {  	s2 =	sadd.s32 s2, s17  }
0x8e: {  	[smem:$0x3FC7] =	sst s2  }
0x8f: {  	_ = 	snop  }
0x90: {  	s2 =	sld [smem:$0x3FD0];
	(tm) =	ssettm $0x1  }
0x91: {  	s18 =	sld [smem:$0x3FFB];
	_ =	sdelay $0x3  }
0x92: {  	_ =	strace s18  }
0x93: {  	s3 =	sld [smem:$0x3FFC];
	_ =	sdelay $0x3  }
0x94: {  	_ =	strace s3  }
0x95: {  	s3 =	sld [smem:$0x3FFD];
	_ =	sdelay $0x3  }
0x96: {  	_ =	strace s3  }
0x97: {  	_ =	strace $0x8FFFFFFF  }
0x98: {  	s19 =	sld [smem:$0x3FDB];
	_ =	sdelay $0x1  }
0x99: {  	s4 =	simm.s32 $_scs_section_size  }
0x9a: {  	s5 =	simm.s32 $_size__tile_overlayer_lowered;
	s6 =	simm.s32 $_tile_overlayer_lowered  }
0x9b: {  	s22 =	simm.s32 $0x1BFF;
	s21 =	sshll.u32 s6, $0x1;
	s3 =	sadd.s32 s4, s19  }
0x9c: {  	s7 =	simm.s32 $0x0;
	s20 =	sshll.u32 s5, $0x1;
	s5 =	sadd.s32 s21, s3  }
0x9d: {  	[timem:s7], [sflag:s22] =	dma.local [hbm:s5], s20  }
0x9e: {  	_ =	swait.ge [sflag:s22], s20  }
0x9f: {  	s4 =	ssub.s32 $0x0, s20;
	[sflag:s22] =	ssyncset.done $0x0  }
0xa0: {  	[sflag:s22] =	ssyncadd.s32 s4;
	_ =	sdelay $0x1  }
0xa1: {  	s23 =	simm.s32 $0x1B8B  }
0xa2: {  	_ =	swait.ge [sflag:s23], $0x1  }
0xa3: {  	[sflag:s23] =	ssyncset.done $0x0  }
0xa4: {  	s25 =	simm.s32 $0x1B8E;
	s24 =	sld [smem:$0x3FFE];
	[sflag:s23] =	ssyncadd.s32 $0xFFFFFFFF  }
0xa5: {  	s26 =	simm.s32 $execute0_lowered;
	[smem:$0x3FD2] =	sst s25  }
0xa6: {  	s5 =	sshll.u32 s26, $0x1;
	_ =	strace $0x80000046;
	[dreg:$0x1] =	wrdreg $0xFFFFFFFF  }
0xa7: {  	s28 =	simm.s32 $_size_execute0_lowered;
	s3 =	sadd.s32 s3, s5;
	[dreg:$0x0] =	wrdreg $0x0  }
0xa8: {  	s5 =	sshll.u32 s28, $0x1;
	[dreg:$0x2] =	wrdreg s3  }
0xa9: {  	[dreg:$0x3] =	wrdreg s5  }
0xaa: {  	[dreg:$0x4] =	wrdreg $0xC0  }
0xab: {  	_ =	task [dreg:s7], $0x5FFFF  }
0xac: {  	[dreg:$0x1] =	wrdreg $0xFFFFFFFF  }
0xad: {  	[dreg:$0x0] =	wrdreg $0x60  }
0xae: {  	[dreg:$0x2] =	wrdreg s24  }
0xaf: {  	[dreg:$0x3] =	wrdreg s2  }
0xb0: {  	[dreg:$0x4] =	wrdreg $0x9  }
0xb1: {  	_ =	task.clear_ibuf [dreg:s7], $0x5FFFF;
	_ =	strace $0x90000046  }
0xb2: {  	s29 =	simm.s32 $0x9;
	_ =	strace $0x80000048  }
0xb3: {  	_ =	swait.ge [sflag:s29], $0x1  }
0xb4: {  	[sflag:s29] =	ssyncadd.s32 $0xFFFFFFFF  }
0xb5: {  	_ =	strace $0x90000048  }
0xb6: {  	_ =	sfence  }
0xb7: {  	s30 =	sld [smem:$0x0];
	_ =	sdelay $0x2  }
0xb8: {  	s31 =	sshll.u32 s1, $0xD;
	s1 =	sshrl.u32 s1, $0x2  }
0xb9: {  	s3 =	sand.u32 $0x4000, s31;
	s1 =	sadd.s32 s1, s30  }
0xba: {  	s0 =	sor.u32 s3, s0;
	s1 =	sshll.u32 s1, $0x11  }
0xbb: {  	s0 =	sor.u32 s1, s0  }
0xbc: {  	s0 =	sadd.s32 $0x8F2B, s0  }
0xbd: {  	[sflag:s0] =	ssyncadd.remote.s32 $0x1  }
0xbe: {  	_ =	sfence.sel $0xFFFF  }
0xbf: {  	[dreg:$0x0] =	wrdreg $0xFFFFFFFF;
	(pc) =	sbr.abs _section_cstart, $3  }
0xc0: {  	[dreg:$0x1] =	wrdreg $0xFFFFFFFF  }
0xc1: {  	_ =	task.clear_ibuf [dreg:s7], $0x2FFFF;
	_ =	strace $0x9FFFFFFF  }
0xc2: {  	(tm) =	ssettm $0x7FFFFFFF  }
0xc3: {  	_ =	shalt  }
tec
execute0_lowered:
.L_overlay_start_1:
0x0: {  	(tag) =	ssettag $0x1  }
0x1: {  	v0 =	vimm.s32 $0x65432100;
	v1 =	vimm.s32 $0xEDCBA987;
	v2 =	vimm.s32 $0x98765432  }
0x2: {  	v3 =	vimm.s32 $0x10FEDCBA;
	v4 =	vimm.s32 $0x87654321;
	v5 =	vimm.s32 $0xFEDCBAA  }
0x3: {  	s1 =	srdreg.scid;
	v6 =	vimm.s32 $0x543210FE;
	v7 =	vimm.s32 $0xDCBA9876;
	v2 =	vunpack.c.l.s4.s8 v2  }
0x4: {  	s0 =	stileid.u32;
	v3 =	vunpack.c.l.s4.s8 v3;
	v4 =	vunpack.c.l.s4.s8 v4;
	s4 =	sand.u32 $0x1, s1;
	v5 =	vunpack.c.l.s4.s8 v5  }
0x5: {  	s3 =	rddreg [dreg:$0x0];
	v0 =	vunpack.c.l.s4.s8 v0;
	v1 =	vunpack.c.l.s4.s8 v1;
	s6 =	sshll.u32 s0, $0x4;
	s7 =	sshll.u32 s4, $0x3;
	v2 =	vunpack.c.0.s8.s32 v2  }
0x6: {  	s5 =	rddreg [dreg:$0x1];
	s2 =	simm.s32 $0x0;
	v3 =	vunpack.c.0.s8.s32 v3;
	v4 =	vunpack.c.0.s8.s32 v4;
	s6 =	sor.u32 s7, s6;
	v5 =	vunpack.c.0.s8.s32 v5  }
0x7: {  	s1 =	rddreg [dreg:$0x2];
	v6 =	vunpack.c.l.s4.s8 v6;
	v7 =	vunpack.c.l.s4.s8 v7;
	s4 =	ssub.s32 $0x2, s4;
	v1 =	vunpack.c.0.s8.s32 v1;
	s6 =	smul.u32 $0x180, s6  }
0x8: {  	s9 =	simm.s32 $0x0;
	[smem:$0x7FF] =	sst s2;
	s31 =	sshrl.u32 s4, $0x1;
	v0 =	vunpack.c.0.s8.s32 v0;
	v2 =	vcombine.low v3, v2;
	v3 =	vcombine.low v5, v4  }
0x9: {  	_ =	strace $0x80000047;
	s7 =	ssub.s32 s4, s31;
	v1 =	vand.u32 $0xF, v1;
	v4 =	vunpack.c.0.s8.s32 v6;
	v5 =	vunpack.c.0.s8.s32 v7;
	s8 =	sadd.s32 s6, s3  }
0xa: {  	vm0 =	vmmov $0x3f;
	vm1 =	vmmov $0x7f;
	s3 =	sadd.s32 $0xC0600, s3;
	v0 =	vcombine.low v0, v1;
	s5 =	sadd.s32 s5, s6;
	s6 =	smax.u32 s7, $0x1  }
0xb: {  	s7 =	simm.s32 $0x6000;
	s4 =	sadd.s32 $0x600, s8;
	v1 =	vand.u32 $0xF, v2;
	s8 =	simm.s32 $0x1;
	v2 =	vand.u32 $0xF, v3;
	v3 =	vcombine.low v5, v4  }
.LBB2_1:
0xc: {  	[tilespmem:s7], [sflag:$0x1] =	stream.linear.gather [hbm4b:s3+s2], $0x180, $0x38;
	[tilespmem:$0x6180] =	vst v63  }
0xd: {  	_ =	swait.ge [sflag:s8], $0x180  }
0xe: {  	[sflag:s8] =	ssyncset.done $0x0  }
0xf: {  	[sflag:s8] =	ssyncadd.s32 $0xFFFFFE80  }
0x10: {  	v11 =	vld [tilespmem:$0x6000]  }
0x11: {  	v4 =	vld [tilespmem:$0x6010]  }
0x12: {  	v12 =	vld [tilespmem:$0x6020]  }
0x13: {  	v10 =	vld [tilespmem:$0x6030]  }
0x14: {  	v9 =	vld [tilespmem:$0x6040]  }
0x15: {  	v7 =	vld [tilespmem:$0x6050]  }
0x16: {  	v14 =	vld [tilespmem:$0x6060]  }
0x17: {  	v6 =	vld [tilespmem:$0x6070]  }
0x18: {  	v15 =	vld [tilespmem:$0x6080]  }
0x19: {  	v13 =	vld [tilespmem:$0x6090]  }
0x1a: {  	v16 =	vld [tilespmem:$0x60A0]  }
0x1b: {  	v17 =	vld [tilespmem:$0x60B0]  }
0x1c: {  	v18 =	vld [tilespmem:$0x60C0]  }
0x1d: {  	v19 =	vld [tilespmem:$0x60D0]  }
0x1e: {  	v21 =	vld [tilespmem:$0x60E0]  }
0x1f: {  	v23 =	vld [tilespmem:$0x60F0]  }
0x20: {  	v24 =	vld [tilespmem:$0x6100]  }
0x21: {  	v25 =	vld [tilespmem:$0x6110]  }
0x22: {  	s10 =	simm.s32 $0x0;
	v26 =	vld [tilespmem:$0x6120]  }
0x23: {  	s10 =	smul.u32 $0x3000, s10;
	v8 =	vld [tilespmem:$0x6130]  }
0x24: {  	v5 =	vld [tilespmem:$0x613A];
	[tilespmem:s2], [sflag:$0x1] =	stream.linear.gather [hbm4b:s4+s2], $0x6000, $0x38  }
0x25: {  	_ =	swait.ge [sflag:s8], $0x6000  }
0x26: {  	s11 =	sand.u32 $0x380, s2;
	s10 =	sshra.s32 s10, $0x2;
	[sflag:s8] =	ssyncset.done $0x0  }
0x27: {  	s10 =	sor.u32 s11, s10;
	[sflag:s8] =	ssyncadd.s32 $0xFFFFA000  }
0x28: {  	v38 =	vld [tilespmem:s10+$0x820]  }
0x29: {  	v43 =	vld [tilespmem:s10+$0x470]  }
0x2a: {  	v33 =	vld [tilespmem:s10+$0x460]  }
0x2b: {  	v22 =	vld [tilespmem:s10+$0x810]  }
0x2c: {  	v30 =	vld [tilespmem:s10+$0x420]  }
0x2d: {  	v40 =	vld [tilespmem:s10+$0x430]  }
0x2e: {  	v37 =	vld [tilespmem:s10+$0x440]  }
0x2f: {  	v44 =	vld [tilespmem:s10+$0x800]  }
0x30: {  	v29 =	vld [tilespmem:s10+$0x450];
	v20 =	vperm.xlane v22, v0;
	v27 =	vperm.xlane v38, v0  }
0x31: {  	v31 =	vld [tilespmem:s10+$0x400];
	v34 =	vperm.xlane v33, v0;
	v36 =	vperm.xlane v43, v0  }
0x32: {  	v41 =	vperm.xlane v30, v0;
	v42 =	vperm.xlane v40, v0  }
0x33: {  	v28 =	vld [tilespmem:s10+$0x50];
	v57 =	vperm.xlane v37, v0;
	v35 =	vadd.f32 v20, v25;
	v39 =	vadd.f32 v27, v26  }
0x34: {  	v58 =	vperm.xlane v44, v0;
	v34 =	vadd.f32 v34, v21;
	v46 =	vadd.f32 v41, v16  }
0x35: {  	v32 =	vld [tilespmem:s10+$0x0];
	v55 =	vperm.xlane v29, v0;
	v42 =	vadd.f32 v42, v17;
	v48 =	vadd.f32 v57, v18  }
0x36: {  	v47 =	vld.msk [tilespmem:s10+$0x840], $0x3ff;
	v45 =	vperm.xlane v31, v0;
	v50 =	vadd.f32 v36, v23;
	v59 =	vadd.f32 v58, v24  }
0x37: {  	v20 =	vld [tilespmem:s10+$0x60];
	vm2 =	veq.f32 v35, $0.0e+00;
	vm3 =	veq.f32 v39, $0.0e+00;
	v35 =	vadd.f32 v55, v19  }
0x38: {  	v41 =	vld [tilespmem:s10+$0x20];
	v39 =	vperm.xlane v28, v0;
	vm4 =	veq.f32 v42, $0.0e+00;
	vm5 =	veq.f32 v48, $0.0e+00  }
0x39: {  	v27 =	vld [tilespmem:s10+$0x830];
	vm15 =	veq.f32 v59, $0.0e+00;
	v56 =	vsel vm2, $0x0, v22;
	vm2 =	veq.f32 v34, $0.0e+00  }
0x3a: {  	v42 =	vld [tilespmem:s10+$0x410];
	v34 =	vadd.f32 v45, v15;
	v45 =	vperm.xlane v32, v0;
	v60 =	vsel vm5, $0x0, v37;
	[tilespmem:s10+$0x810] =	vst v56  }
0x3b: {  	v36 =	vld [tilespmem:s10+$0x40];
	v61 =	vsel vm4, $0x0, v40;
	v38 =	vsel vm3, $0x0, v38;
	vm3 =	veq.f32 v50, $0.0e+00;
	[tilespmem:s10+$0x440] =	vst v60  }
0x3c: {  	v22 =	vld [tilespmem:s10+$0x10];
	v63 =	vsel vm15, $0x0, v44;
	v44 =	vperm.xlane v47, v2;
	v49 =	vsel vm2, $0x0, v33;
	[tilespmem:s10+$0x430] =	vst v61  }
0x3d: {  	v37 =	vld [tilespmem:s10+$0x30];
	vm2 =	veq.f32 v46, $0.0e+00;
	[tilespmem:s10+$0x820] =	vst v38;
	v51 =	vperm.xlane v20, v0;
	v62 =	vperm.xlane v41, v0  }
0x3e: {  	v46 =	vsel vm3, $0x0, v43;
	v43 =	vperm.xlane v47, v1;
	[tilespmem:s10+$0x800] =	vst v63;
	v40 =	vperm.xlane v27, v1  }
0x3f: {  	s13 =	simm.s32 $0x1;
	s11 =	simm.s32 $0x0;
	v33 =	vld [tilespmem:s10+$0x70];
	[tilespmem:s10+$0x460] =	vst v49;
	v47 =	vadd.f32 v62, v12;
	v38 =	vadd.f32 v51, v14;
	v48 =	vperm.xlane v42, v0  }
.LBB2_2:
0x40: {  	s12 =	smov.u32 s13  }
0x41: {  	s14 =	sshrl.u32 s13, $0x3;
	v45 =	vadd.f32 v45, v11;
	v49 =	vperm.xlane v22, v0;
	v50 =	vperm.xlane v36, v0;
	[tilespmem:s10+$0x470] =	vst v46;
	s11 =	sadd.s32 $0x80, s11;
	s12 =	sadd.s32 $0x1, s13  }
0x42: {  	p0 =	sne.s32 s13, $0x3F;
	s14 =	smul.u32 $0x3000, s14;
	vm3 =	veq.f32 v47, $0.0e+00;
	v46 =	vperm.xlane v37, v0;
	v47 =	vadd.f32 v48, v13  }
0x43: {  	vm4 =	veq.f32 v45, $0.0e+00;
	v41 =	vsel vm3, $0x0, v41;
	v45 =	vperm.xlane v27, v0  }
0x44: {  	s13 =	sand.u32 $0x380, s11;
	s14 =	sshra.s32 s14, $0x2;
	vm3 =	veq.f32 v47, $0.0e+00;
	[tilespmem:s10+$0x20] =	vst v41;
	v41 =	vadd.f32 v46, v10;
	v46 =	vadd.f32 v50, v9  }
0x45: {  	v32 =	vsel vm4, $0x0, v32;
	v47 =	vperm.xlane v33, v0;
	s13 =	sor.u32 s13, s14;
	v42 =	vsel vm3, $0x0, v42  }
0x46: {  	vm3 =	veq.f32 v35, $0.0e+00;
	v35 =	vperm.xlane v27, v2;
	v48 =	vld [tilespmem:s13+$0x820];
	[tilespmem:s10+$0x0] =	vst v32;
	v32 =	vadd.f32 v39, v7  }
0x47: {  	v40 =	vsel vm0, v40, v43;
	v45 =	vadd.f32 v45, v8;
	v39 =	vadd.f32 v49, v4;
	v50 =	vld [tilespmem:s13+$0x470]  }
0x48: {  	v30 =	vsel vm2, $0x0, v30;
	vm4 =	veq.f32 v34, $0.0e+00;
	v34 =	vsel vm1, v35, v44;
	v43 =	vld [tilespmem:s13+$0x460];
	[tilespmem:s10+$0x410] =	vst v42  }
0x49: {  	v31 =	vsel vm4, $0x0, v31;
	vm2 =	veq.f32 v41, $0.0e+00;
	v41 =	vadd.f32 v47, v6;
	v35 =	vld [tilespmem:s13+$0x810];
	[tilespmem:s10+$0x420] =	vst v30  }
0x4a: {  	v29 =	vsel vm3, $0x0, v29;
	vm4 =	veq.f32 v46, $0.0e+00;
	v37 =	vsel vm2, $0x0, v37;
	v44 =	vld [tilespmem:s13+$0x800]  }
0x4b: {  	v36 =	vsel vm4, $0x0, v36;
	vm2 =	veq.f32 v39, $0.0e+00;
	vm3 =	veq.f32 v41, $0.0e+00;
	v30 =	vld [tilespmem:s13+$0x420];
	[tilespmem:s10+$0x400] =	vst v31  }
0x4c: {  	vm4 =	veq.f32 v32, $0.0e+00;
	v31 =	vsel vm3, $0x0, v33;
	v46 =	vld [tilespmem:s13+$0x440];
	v39 =	vperm.xlane v50, v0;
	[tilespmem:s10+$0x40] =	vst v36  }
0x4d: {  	v28 =	vsel vm4, $0x0, v28;
	v32 =	vperm.xlane v48, v0;
	v47 =	vld [tilespmem:s13+$0x430];
	v33 =	vperm.xlane v43, v0;
	[tilespmem:s10+$0x450] =	vst v29  }
0x4e: {  	vm4 =	veq.f32 v45, $0.0e+00;
	vm3 =	veq.f32 v38, $0.0e+00;
	v29 =	vld [tilespmem:s13+$0x450];
	v36 =	vperm.xlane v35, v0;
	[tilespmem:s10+$0x70] =	vst v31  }
0x4f: {  	v27 =	vsel vm4, $0x0, v27;
	v20 =	vsel vm3, $0x0, v20;
	v38 =	vadd.f32 v32, v26;
	v31 =	vld [tilespmem:s13+$0x400];
	[tilespmem:s10+$0x30] =	vst v37  }
0x50: {  	v34 =	vadd.f32 v34, v5;
	v32 =	vld [tilespmem:s13+$0x0];
	v37 =	vperm.xlane v30, v0;
	v36 =	vadd.f32 v36, v25;
	[tilespmem:s10+$0x50] =	vst v28  }
0x51: {  	v22 =	vsel vm2, $0x0, v22;
	v33 =	vadd.f32 v33, v21;
	vm3 =	veq.f32 v38, $0.0e+00;
	v28 =	vld [tilespmem:s13+$0x50];
	[tilespmem:s10+$0x60] =	vst v20  }
0x52: {  	vm4 =	veq.f32 v34, $0.0e+00;
	v20 =	vld [tilespmem:s13+$0x60];
	v38 =	vperm.xlane v47, v0;
	vm2 =	veq.f32 v36, $0.0e+00;
	[tilespmem:s10+$0x830] =	vst v27  }
0x53: {  	v36 =	vsel vm4, $0x0, v40;
	v34 =	vperm.xlane v29, v0;
	v35 =	vsel vm2, $0x0, v35;
	v27 =	vld [tilespmem:s13+$0x830];
	[tilespmem:s10+$0x10] =	vst v22  }
0x54: {  	v37 =	vadd.f32 v37, v16;
	v36 =	vperm.xlane v36, v3;
	v22 =	vld [tilespmem:s13+$0x10];
	v40 =	vperm.xlane v31, v0;
	[tilespmem:s13+$0x810] =	vst v35  }
0x55: {  	v42 =	vperm.xlane v46, v0;
	vm2 =	veq.f32 v33, $0.0e+00;
	v35 =	vadd.f32 v34, v19  }
0x56: {  	v38 =	vadd.f32 v38, v17;
	v41 =	vld [tilespmem:s13+$0x20];
	v34 =	vadd.f32 v40, v15;
	v40 =	vperm.xlane v44, v0;
	[tilespmem:s10+$0x840] =	vst.msk $0x3ff, v36;
	s10 =	smov.u32 s13  }
0x57: {  	v36 =	vadd.f32 v42, v18;
	v42 =	vsel vm2, $0x0, v43;
	v43 =	vadd.f32 v39, v23;
	v49 =	vld.msk [tilespmem:s10+$0x840], $0x3ff  }
0x58: {  	v39 =	vperm.xlane v28, v0;
	vm4 =	veq.f32 v38, $0.0e+00;
	v33 =	vld [tilespmem:s10+$0x70];
	[tilespmem:s10+$0x460] =	vst v42;
	v38 =	vadd.f32 v40, v24  }
0x59: {  	vm2 =	veq.f32 v37, $0.0e+00;
	v51 =	vperm.xlane v20, v0;
	vm5 =	veq.f32 v36, $0.0e+00;
	v42 =	vld [tilespmem:s10+$0x410]  }
.Ltmp0:
0x5a: {  	v45 =	vperm.xlane v32, v0;
	v40 =	vsel vm5, $0x0, v46;
	v36 =	vld [tilespmem:s10+$0x40];
	vm5 =	veq.f32 v38, $0.0e+00;
	(pc) =	sbr.rel @p0 .LBB2_2-.Ltmp0, $4  }
0x5b: {  	v38 =	vsel vm4, $0x0, v47;
	v47 =	vsel vm3, $0x0, v48;
	v37 =	vld [tilespmem:s10+$0x30];
	[tilespmem:s10+$0x440] =	vst v40;
	v40 =	vperm.xlane v27, v1  }
0x5c: {  	vm3 =	veq.f32 v43, $0.0e+00;
	v48 =	vperm.xlane v41, v0;
	v52 =	vsel vm5, $0x0, v44;
	[tilespmem:s10+$0x430] =	vst v38  }
0x5d: {  	v46 =	vsel vm3, $0x0, v50;
	v43 =	vperm.xlane v49, v1;
	v44 =	vperm.xlane v49, v2;
	[tilespmem:s10+$0x820] =	vst v47  }
0x5e: {  	s13 =	smov.u32 s12;
	v38 =	vadd.f32 v51, v14;
	v47 =	vadd.f32 v48, v12;
	v48 =	vperm.xlane v42, v0;
	[tilespmem:s10+$0x800] =	vst v52  }
0x5f: {  	v11 =	vadd.f32 v45, v11;
	v12 =	vperm.xlane v22, v0;
	v15 =	vperm.xlane v36, v0  }
0x60: {  	v16 =	vperm.xlane v27, v0;
	v52 =	vperm.xlane v33, v0;
	v7 =	vadd.f32 v39, v7  }
0x61: {  	vm14 =	veq.f32 v34, $0.0e+00;
	v54 =	vsel vm2, $0x0, v30;
	v56 =	vperm.xlane v27, v2  }
0x62: {  	[tilespmem:s10+$0x470] =	vst v46;
	v61 =	vsel vm0, v40, v43;
	v14 =	vperm.xlane v37, v0;
	v13 =	vadd.f32 v48, v13  }
0x63: {  	vm3 =	veq.f32 v47, $0.0e+00;
	v55 =	vsel vm14, $0x0, v31;
	[tilespmem:s10+$0x420] =	vst v54;
	vm4 =	veq.f32 v11, $0.0e+00  }
0x64: {  	v50 =	vsel vm3, $0x0, v41;
	v9 =	vadd.f32 v15, v9;
	v6 =	vadd.f32 v52, v6;
	[tilespmem:s10+$0x400] =	vst v55  }
0x65: {  	v4 =	vadd.f32 v12, v4;
	[tilespmem:s10+$0x20] =	vst v50;
	vm3 =	veq.f32 v13, $0.0e+00;
	v51 =	vsel vm4, $0x0, v32  }
0x66: {  	v8 =	vadd.f32 v16, v8;
	v53 =	vsel vm3, $0x0, v42;
	[tilespmem:s10+$0x0] =	vst v51;
	vm2 =	veq.f32 v9, $0.0e+00  }
0x67: {  	v59 =	vsel vm1, v56, v44;
	vm3 =	veq.f32 v35, $0.0e+00;
	[tilespmem:s10+$0x410] =	vst v53;
	v57 =	vsel vm2, $0x0, v36  }
0x68: {  	v10 =	vadd.f32 v14, v10;
	vm15 =	veq.f32 v4, $0.0e+00;
	v58 =	vsel vm3, $0x0, v29;
	[tilespmem:s10+$0x40] =	vst v57  }
0x69: {  	v5 =	vadd.f32 v59, v5;
	vm2 =	veq.f32 v6, $0.0e+00;
	v63 =	vsel vm15, $0x0, v22;
	[tilespmem:s10+$0x450] =	vst v58  }
0x6a: {  	vm3 =	veq.f32 v10, $0.0e+00;
	v60 =	vsel vm2, $0x0, v33;
	vm2 =	veq.f32 v7, $0.0e+00;
	[tilespmem:s10+$0x10] =	vst v63  }
0x6b: {  	v10 =	vsel vm3, $0x0, v37;
	[tilespmem:s10+$0x70] =	vst v60;
	v7 =	vsel vm2, $0x0, v28;
	vm2 =	veq.f32 v38, $0.0e+00  }
0x6c: {  	vm3 =	veq.f32 v8, $0.0e+00;
	[tilespmem:s10+$0x30] =	vst v10;
	v62 =	vsel vm2, $0x0, v20;
	vm2 =	veq.f32 v5, $0.0e+00  }
0x6d: {  	v4 =	vsel vm3, $0x0, v27;
	[tilespmem:s10+$0x50] =	vst v7;
	v5 =	vsel vm2, $0x0, v61  }
0x6e: {  	s9 =	sadd.s32 $0x1, s9;
	[tilespmem:s10+$0x830] =	vst v4;
	v4 =	vperm.xlane v5, v3  }
0x6f: {  	p0 =	sne.s32 s9, s6;
	[tilespmem:s10+$0x60] =	vst v62  }
.Ltmp1:
0x70: {  	[tilespmem:s10+$0x840] =	vst.msk $0x3ff, v4;
	(pc) =	sbr.rel @p0 .LBB2_1-.Ltmp1, $4  }
0x71: {  	[hbm4b:s5+s2] =	stream.linear.scatter [tilespmem:s2], [sflag:$0x1], $0x6000, $0x38;
	[tilespmem:$0x6180] =	vst v63  }
0x72: {  	_ =	swait.ge [sflag:s8], $0x6000  }
0x73: {  	[sflag:s8] =	ssyncset.done $0x0  }
0x74: {  	[sflag:s8] =	ssyncadd.s32 $0xFFFFA000  }
0x75: {  	_ =	sfence.sel $0x180000  }
0x76: {  	[bflag:$0x0] =	sbarrier.arrive $0xFFFF  }
0x77: {  	p0 =	sne.s32 s0, $0x0;
	_ =	strace $0x90000047  }
0x78: {  	s0 =	sadd.s32 @!p0 $0x100000, s1;
	[bflag:$0x2] =	sbarrier.arrive $0xFFFF  }
0x79: {  	[sflag:s0] =	ssyncadd.tile.s32 @!p0 $0x1;
	_ =	shalt  }
.Lfunc_end2:
_tile_overlayer_lowered:
.L_overlay_start_2:
0x7a: {  	(tag) =	ssettag $0x2  }
0x7b: {  	s0 =	rddreg [dreg:$0x0];
	s2 =	stileid.u32  }
0x7c: {  	s1 =	rddreg [dreg:$0x1];
	p0 =	sne.s32 s2, $0x0  }
0x7d: {  	s3 =	rddreg [dreg:$0x2];
	[bflag:$0x3] =	sbarrier.arrive $0xFFFF;
	s2 =	simm.s32 @!p0 $0x1C01  }
0x7e: {  	[timem:s3], [sflag:s2] =	dma.local @!p0 [hbm:s0], s1  }
0x7f: {  	s0 =	simm.s32 @!p0 $0x1  }
0x80: {  	_ =	swait.ge @!p0 [sflag:s0], s1  }
0x81: {  	s1 =	ssub.s32 @!p0 $0x0, s1;
	[sflag:s0] =	ssyncset.done @!p0 $0x0  }
0x82: {  	[sflag:s0] =	ssyncadd.s32 @!p0 s1  }
0x83: {  	[bflag:$0x3] =	sbarrier.arrive $0xFFFF  }
0x84: {  	_ =	shalt  }

</sc_bundles>
